<compile_context>
chip_gen: v7x
topology: tpu7x:2x2x1
jax: 0.10.2.dev20260603
libtpu: 0.0.44.dev20260713+nightly
codegen_flags: <defaults>
</compile_context>

<pallas_src>
import functools

import jax
import jax.numpy as jnp
from jax import lax
from jax.experimental import pallas as pl
from jax.experimental.pallas import tpu as pltpu
from jax.experimental.pallas import tpu_sc as plsc

N = 10000
E = 320000
D_IN = 128
D_HID = 16
D_OUT = 40

NACC = 10240
CW = 128
CH = 80
NC = 2
NS = 16
NW = NC * NS
EPAD = NW * CH * CW

_mesh = plsc.VectorSubcoreMesh(core_axis_name="c", subcore_axis_name="s")
_sc_params = pltpu.CompilerParams(use_tc_tiling_on_sc=False)



@functools.partial(
    pl.kernel,
    out_type=jax.ShapeDtypeStruct((NC, NACC), jnp.float32),
    mesh=_mesh,
    scratch_types=[
        pltpu.VMEM((CH, CW), jnp.int32),
        pltpu.VMEM((CW,), jnp.float32),
        pltpu.VMEM_SHARED((NACC,), jnp.float32),
        pltpu.SemaphoreType.DMA,
    ],
    compiler_params=_sc_params,
)
def _deg_kernel(dst_hbm, zeros_hbm, ones_hbm, out_hbm, dst_v, ones_v, acc_sh, sem):
    cid = lax.axis_index("c")
    sid = lax.axis_index("s")
    wid = sid * NC + cid

    @pl.when(sid == 0)
    def _init():
        pltpu.sync_copy(zeros_hbm, acc_sh)

    pltpu.sync_copy(ones_hbm, ones_v)
    pltpu.sync_copy(dst_hbm.at[pl.ds(wid * CH, CH)], dst_v)
    plsc.subcore_barrier()

    def body(j, carry):
        pltpu.sync_copy(ones_v, acc_sh.at[dst_v.at[j]], add=True)
        return carry

    lax.fori_loop(0, CH, body, 0)
    plsc.subcore_barrier()

    @pl.when(sid == 0)
    def _out():
        pltpu.sync_copy(acc_sh, out_hbm.at[cid])



@functools.partial(
    pl.kernel,
    out_type=jax.ShapeDtypeStruct((NC, NACC, D_HID), jnp.float32),
    mesh=_mesh,
    scratch_types=[
        pltpu.VMEM((CH, CW), jnp.int32),
        pltpu.VMEM((CH, CW), jnp.int32),
        pltpu.VMEM((CW, D_HID), jnp.float32),
        pltpu.VMEM_SHARED((NACC, D_HID), jnp.float32),
        pltpu.SemaphoreType.DMA,
    ],
    compiler_params=_sc_params,
)
def _agg_kernel(h_hbm, src_hbm, dst_hbm, zeros_hbm, out_hbm,
                src_v, dst_v, rows_v, acc_sh, sem):
    cid = lax.axis_index("c")
    sid = lax.axis_index("s")
    wid = sid * NC + cid

    @pl.when(sid == 0)
    def _init():
        pltpu.sync_copy(zeros_hbm, acc_sh)

    pltpu.sync_copy(src_hbm.at[pl.ds(wid * CH, CH)], src_v)
    pltpu.sync_copy(dst_hbm.at[pl.ds(wid * CH, CH)], dst_v)
    plsc.subcore_barrier()

    def body(j, carry):
        pltpu.async_copy(h_hbm.at[src_v.at[j]], rows_v, sem).wait()
        pltpu.sync_copy(rows_v, acc_sh.at[dst_v.at[j]], add=True)
        return carry

    lax.fori_loop(0, CH, body, 0)
    plsc.subcore_barrier()

    @pl.when(sid == 0)
    def _out():
        pltpu.sync_copy(acc_sh, out_hbm.at[cid])



_RB = 1024


def _dis(degp_ref):
    return lax.rsqrt(degp_ref[0, :] + degp_ref[1, :] + 1.0)[:, None]


def _tc1_body(x_ref, w_ref, degp_ref, o_ref):
    h = jnp.dot(x_ref[...], w_ref[...], preferred_element_type=jnp.float32)
    o_ref[...] = h * _dis(degp_ref)


def _tc2_body(aggp_ref, hp_ref, degp_ref, b_ref, o_ref):
    dis = _dis(degp_ref)
    pre = dis * (aggp_ref[0] + aggp_ref[1] + hp_ref[...]) + b_ref[...]
    o_ref[...] = dis * jnp.maximum(pre, 0.0)


def _tc3_body(aggp_ref, hq_ref, degp_ref, w_ref, b_ref, o_ref):
    z = _dis(degp_ref) * (aggp_ref[0] + aggp_ref[1] + hq_ref[...])
    o_ref[...] = jnp.dot(z, w_ref[...], preferred_element_type=jnp.float32) + b_ref[...]


def _tc1(x_pad, W1, degp):
    return pl.pallas_call(
        _tc1_body,
        grid=(NACC // _RB,),
        in_specs=[
            pl.BlockSpec((_RB, D_IN), lambda i: (i, 0)),
            pl.BlockSpec((D_IN, D_HID), lambda i: (0, 0)),
            pl.BlockSpec((NC, _RB), lambda i: (0, i)),
        ],
        out_specs=pl.BlockSpec((_RB, D_HID), lambda i: (i, 0)),
        out_shape=jax.ShapeDtypeStruct((NACC, D_HID), jnp.float32),
    )(x_pad, W1, degp)


def _tc2(aggp, hp, degp, b1):
    return pl.pallas_call(
        _tc2_body,
        grid=(NACC // _RB,),
        in_specs=[
            pl.BlockSpec((NC, _RB, D_HID), lambda i: (0, i, 0)),
            pl.BlockSpec((_RB, D_HID), lambda i: (i, 0)),
            pl.BlockSpec((NC, _RB), lambda i: (0, i)),
            pl.BlockSpec((1, D_HID), lambda i: (0, 0)),
        ],
        out_specs=pl.BlockSpec((_RB, D_HID), lambda i: (i, 0)),
        out_shape=jax.ShapeDtypeStruct((NACC, D_HID), jnp.float32),
    )(aggp, hp, degp, b1)


def _tc3(aggp, hq, degp, W2, b2):
    return pl.pallas_call(
        _tc3_body,
        grid=(NACC // _RB,),
        in_specs=[
            pl.BlockSpec((NC, _RB, D_HID), lambda i: (0, i, 0)),
            pl.BlockSpec((_RB, D_HID), lambda i: (i, 0)),
            pl.BlockSpec((NC, _RB), lambda i: (0, i)),
            pl.BlockSpec((D_HID, D_OUT), lambda i: (0, 0)),
            pl.BlockSpec((1, D_OUT), lambda i: (0, 0)),
        ],
        out_specs=pl.BlockSpec((_RB, D_OUT), lambda i: (i, 0)),
        out_shape=jax.ShapeDtypeStruct((NACC, D_OUT), jnp.float32),
    )(aggp, hq, degp, W2, b2)



def kernel(x, edge_index, W1, b1, W2, b2):
    ei = edge_index.astype(jnp.int32)
    pad = jnp.full((EPAD - E,), N, jnp.int32)
    src_r = jnp.concatenate([ei[0], pad]).reshape(NW * CH, CW)
    dst_r = jnp.concatenate([ei[1], pad]).reshape(NW * CH, CW)
    x_pad = jnp.pad(x, ((0, NACC - N), (0, 0)))
    zeros1 = jnp.zeros((NACC,), jnp.float32)
    zeros16 = jnp.zeros((NACC, D_HID), jnp.float32)
    ones_row = jnp.ones((CW,), jnp.float32)

    degp = _deg_kernel(dst_r, zeros1, ones_row)
    hp = _tc1(x_pad, W1, degp)
    aggp1 = _agg_kernel(hp, src_r, dst_r, zeros16)
    hq = _tc2(aggp1, hp, degp, b1.reshape(1, D_HID))
    aggp2 = _agg_kernel(hq, src_r, dst_r, zeros16)
    out = _tc3(aggp2, hq, degp, W2, b2.reshape(1, D_OUT))
    return out[:N]

# --- scband reference (transcript-rebuilt; emitter-appended) ---
"""Pipeline reference for scband-gcn-309237645923 (READ-ONLY COPY).

The authoritative reference and input builder live on the scoring server;
editing this copy changes nothing except your own understanding.
"""

import jax, jax.numpy as jnp
import numpy as np

N_NODES = 10000
N_EDGES = 320000
D_IN = 128
D_HID = 16
D_OUT = 40


def setup_inputs(seed: int = 0) -> dict:
    key = jax.random.key(seed)
    k_x, k_e, k_w1, k_b1, k_w2, k_b2 = (jax.random.fold_in(key, i) for i in range(6))
    x = jax.random.normal(k_x, (N_NODES, D_IN), dtype=jnp.float32)
    edge_index = jax.random.randint(k_e, (2, N_EDGES), 0, N_NODES, dtype=jnp.int64)
    # Glorot-style init for GCNConv weights
    W1 = jax.random.normal(k_w1, (D_IN, D_HID), dtype=jnp.float32) * (1.0 / np.sqrt(D_IN))
    b1 = jnp.zeros((D_HID,), dtype=jnp.float32)
    W2 = jax.random.normal(k_w2, (D_HID, D_OUT), dtype=jnp.float32) * (1.0 / np.sqrt(D_HID))
    b2 = jnp.zeros((D_OUT,), dtype=jnp.float32)
    return {"x": x, "edge_index": edge_index, "W1": W1, "b1": b1, "W2": W2, "b2": b2}


def _gcn_conv(x, edge_index, W, b):
    # Faithful GCNConv: add self-loops, symmetric normalization D^-1/2 A_hat D^-1/2, then XW aggregation.
    N = x.shape[0]
    loop = jnp.arange(N, dtype=edge_index.dtype)
    src = jnp.concatenate([edge_index[0], loop])
    dst = jnp.concatenate([edge_index[1], loop])
    deg = jnp.zeros((N,), dtype=jnp.float32).at[dst].add(1.0)
    deg_inv_sqrt = jnp.where(deg > 0, jax.lax.rsqrt(jnp.maximum(deg, 1e-12)), 0.0)
    norm = deg_inv_sqrt[src] * deg_inv_sqrt[dst]
    h = x @ W
    msg = h[src] * norm[:, None]
    out = jnp.zeros((N, h.shape[1]), dtype=h.dtype).at[dst].add(msg)
    return out + b


def reference(x, edge_index, W1, b1, W2, b2):
    h = _gcn_conv(x, edge_index, W1, b1)
    h = jax.nn.relu(h)
    out = _gcn_conv(h, edge_index, W2, b2)
    return out

if __name__ == "__main__":
    import jax
    _d = setup_inputs()
    print(jax.jit(kernel)(*tuple(_d.values())))

</pallas_src>

<mosaic_0001>
#map = affine_map<(d0, d1) -> (0, 0)>
#map1 = affine_map<(d0, d1) -> (0)>
module attributes {stable_mosaic.version = 14 : i64} {
  func.func @_deg_kernel(%arg0: i32, %arg1: i32, %arg2: memref<2560x128xi32, #tpu.memory_space<hbm>>, %arg3: memref<10240xf32, #tpu.memory_space<hbm>>, %arg4: memref<128xf32, #tpu.memory_space<hbm>>, %arg5: memref<2x10240xf32, #tpu.memory_space<hbm>>, %arg6: memref<80x128xi32, #tpu.memory_space<vmem>>, %arg7: memref<128xf32, #tpu.memory_space<vmem>>, %arg8: memref<10240xf32, #tpu.memory_space<vmem_shared>>, %arg9: memref<!tpu.dma_semaphore, #tpu.memory_space<semaphore_mem>>) attributes {dimension_semantics = [#tpu.dimension_semantics<core_parallel>, #tpu.dimension_semantics<subcore_parallel>], iteration_bounds = array<i64: 2, 16>, scalar_prefetch = 0 : i64, scratch_operands = 4 : i64, tpu.core_type = #tpu.core_type<sc_vector_subcore>, window_params = [{transform_indices = #map}, {transform_indices = #map1}, {transform_indices = #map1}, {transform_indices = #map}]} {
    %mul3A = arith.constant 2 : i32
    %mul3A_0 = arith.muli %arg1, %mul3A : i32
    %add3A = arith.addi %mul3A_0, %arg0 : i32
    %eq3A = arith.constant 0 : i32
    %eq3A_1 = arith.cmpi eq, %arg1, %eq3A : i32
    %convert_element_type3A = arith.extui %eq3A_1 : i1 to i32
    %cond3A = arith.constant 0 : i32
    %cond3A_2 = arith.cmpi ne, %convert_element_type3A, %cond3A : i32
    scf.if %cond3A_2 {
      "tpu.region"() ({
        %run_scoped3A = tpu.sem_alloc : memref<!tpu.dma_semaphore, #tpu.memory_space<semaphore_mem>>
        tpu.enqueue_dma source(%arg3 : memref<10240xf32, #tpu.memory_space<hbm>>) target(%arg8 : memref<10240xf32, #tpu.memory_space<vmem_shared>>) target_semaphore(%run_scoped3A : memref<!tpu.dma_semaphore, #tpu.memory_space<semaphore_mem>>)
        tpu.wait_dma2 semaphore(%run_scoped3A : memref<!tpu.dma_semaphore, #tpu.memory_space<semaphore_mem>>) src(%arg3 : memref<10240xf32, #tpu.memory_space<hbm>>) dst(%arg8 : memref<10240xf32, #tpu.memory_space<vmem_shared>>)
        tpu.yield
      }) : () -> ()
    } else {
    }
    "tpu.region"() ({
      %run_scoped3A = tpu.sem_alloc : memref<!tpu.dma_semaphore, #tpu.memory_space<semaphore_mem>>
      tpu.enqueue_dma source(%arg4 : memref<128xf32, #tpu.memory_space<hbm>>) target(%arg7 : memref<128xf32, #tpu.memory_space<vmem>>) target_semaphore(%run_scoped3A : memref<!tpu.dma_semaphore, #tpu.memory_space<semaphore_mem>>)
      tpu.wait_dma2 semaphore(%run_scoped3A : memref<!tpu.dma_semaphore, #tpu.memory_space<semaphore_mem>>) src(%arg4 : memref<128xf32, #tpu.memory_space<hbm>>) dst(%arg7 : memref<128xf32, #tpu.memory_space<vmem>>)
      tpu.yield
    }) : () -> ()
    %mul3A_3 = arith.constant 80 : i32
    %mul3A_4 = arith.muli %add3A, %mul3A_3 : i32
    "tpu.region"() ({
      %run_scoped3A = tpu.sem_alloc : memref<!tpu.dma_semaphore, #tpu.memory_space<semaphore_mem>>
      %dma_start3A = arith.constant 0 : i32
      %dma_start3A_16 = tpu.memref_slice %arg2[%mul3A_4, %dma_start3A] : memref<2560x128xi32, #tpu.memory_space<hbm>> -> memref<80x128xi32, #tpu.memory_space<hbm>>
      %dma_start3A_17 = arith.constant 0 : i32
      %dma_start3A_18 = tpu.memref_slice %arg2[%mul3A_4, %dma_start3A_17] : memref<2560x128xi32, #tpu.memory_space<hbm>> -> memref<80x128xi32, #tpu.memory_space<hbm>>
      tpu.enqueue_dma source(%dma_start3A_18 : memref<80x128xi32, #tpu.memory_space<hbm>>) target(%arg6 : memref<80x128xi32, #tpu.memory_space<vmem>>) target_semaphore(%run_scoped3A : memref<!tpu.dma_semaphore, #tpu.memory_space<semaphore_mem>>)
      %dma_wait3A = arith.constant 0 : i32
      %dma_wait3A_19 = tpu.memref_slice %arg2[%mul3A_4, %dma_wait3A] : memref<2560x128xi32, #tpu.memory_space<hbm>> -> memref<80x128xi32, #tpu.memory_space<hbm>>
      %dma_wait3A_20 = arith.constant 0 : i32
      %dma_wait3A_21 = tpu.memref_slice %arg2[%mul3A_4, %dma_wait3A_20] : memref<2560x128xi32, #tpu.memory_space<hbm>> -> memref<80x128xi32, #tpu.memory_space<hbm>>
      tpu.wait_dma2 semaphore(%run_scoped3A : memref<!tpu.dma_semaphore, #tpu.memory_space<semaphore_mem>>) src(%dma_wait3A_21 : memref<80x128xi32, #tpu.memory_space<hbm>>) dst(%arg6 : memref<80x128xi32, #tpu.memory_space<vmem>>)
      tpu.yield
    }) : () -> ()
    %barrier3A = arith.constant 0 : index
    tpu.barrier barrier_id(%barrier3A)
    %scan3A = arith.constant 0 : i32
    %scan3A_5 = arith.constant 0 : i32
    %scan3A_6 = arith.constant 80 : i32
    %scan3A_7 = arith.addi %scan3A_5, %scan3A_6 : i32
    %scan3A_8 = arith.constant 1 : i32
    scf.for %scan3A_16 = %scan3A_5 to %scan3A_7 step %scan3A_8  : i32 {
      "tpu.region"() ({
        %run_scoped3A = tpu.sem_alloc : memref<!tpu.dma_semaphore, #tpu.memory_space<semaphore_mem>>
        %dma_start3A = arith.constant 0 : i32
        %dma_start3A_17 = tpu.memref_slice %arg6[%scan3A_16, %dma_start3A] : memref<80x128xi32, #tpu.memory_space<vmem>> -> memref<1x128xi32, #tpu.memory_space<vmem>>
        %dma_start3A_18 = tpu.memref_squeeze %dma_start3A_17 : memref<1x128xi32, #tpu.memory_space<vmem>> -> memref<128xi32, #tpu.memory_space<vmem>>
        %dma_start3A_19 = arith.constant 0 : i32
        %dma_start3A_20 = tpu.memref_slice %arg8[%dma_start3A_19] : memref<10240xf32, #tpu.memory_space<vmem_shared>> -> memref<10240xf32, #tpu.memory_space<vmem_shared>>
        tpu.enqueue_indirect_dma source(%arg7 : memref<128xf32, #tpu.memory_space<vmem>>) target(%dma_start3A_20 : memref<10240xf32, #tpu.memory_space<vmem_shared>>) offsets(%dma_start3A_18 : memref<128xi32, #tpu.memory_space<vmem>>) semaphore(%run_scoped3A : memref<!tpu.dma_semaphore, #tpu.memory_space<semaphore_mem>>) {add = true}
        %dma_wait3A = arith.constant 0 : i32
        %dma_wait3A_21 = tpu.memref_slice %arg6[%scan3A_16, %dma_wait3A] : memref<80x128xi32, #tpu.memory_space<vmem>> -> memref<1x128xi32, #tpu.memory_space<vmem>>
        %dma_wait3A_22 = tpu.memref_squeeze %dma_wait3A_21 : memref<1x128xi32, #tpu.memory_space<vmem>> -> memref<128xi32, #tpu.memory_space<vmem>>
        %dma_wait3A_23 = arith.constant 0 : i32
        %dma_wait3A_24 = tpu.memref_slice %arg8[%dma_wait3A_23] : memref<10240xf32, #tpu.memory_space<vmem_shared>> -> memref<10240xf32, #tpu.memory_space<vmem_shared>>
        tpu.wait_indirect_dma semaphore(%run_scoped3A : memref<!tpu.dma_semaphore, #tpu.memory_space<semaphore_mem>>) src(%arg7 : memref<128xf32, #tpu.memory_space<vmem>>) dst(%dma_wait3A_24 : memref<10240xf32, #tpu.memory_space<vmem_shared>>)
        tpu.yield
      }) : () -> ()
    }
    %scan3A_9 = arith.constant 80 : i32
    %barrier3A_10 = arith.constant 0 : index
    tpu.barrier barrier_id(%barrier3A_10)
    %eq3A_11 = arith.constant 0 : i32
    %eq3A_12 = arith.cmpi eq, %arg1, %eq3A_11 : i32
    %convert_element_type3A_13 = arith.extui %eq3A_12 : i1 to i32
    %cond3A_14 = arith.constant 0 : i32
    %cond3A_15 = arith.cmpi ne, %convert_element_type3A_13, %cond3A_14 : i32
    scf.if %cond3A_15 {
      "tpu.region"() ({
        %run_scoped3A = tpu.sem_alloc : memref<!tpu.dma_semaphore, #tpu.memory_space<semaphore_mem>>
        %dma_start3A = arith.constant 0 : i32
        %dma_start3A_16 = tpu.memref_slice %arg5[%arg0, %dma_start3A] : memref<2x10240xf32, #tpu.memory_space<hbm>> -> memref<1x10240xf32, #tpu.memory_space<hbm>>
        %dma_start3A_17 = tpu.memref_squeeze %dma_start3A_16 : memref<1x10240xf32, #tpu.memory_space<hbm>> -> memref<10240xf32, #tpu.memory_space<hbm>>
        tpu.enqueue_dma source(%arg8 : memref<10240xf32, #tpu.memory_space<vmem_shared>>) target(%dma_start3A_17 : memref<10240xf32, #tpu.memory_space<hbm>>) target_semaphore(%run_scoped3A : memref<!tpu.dma_semaphore, #tpu.memory_space<semaphore_mem>>)
        %dma_wait3A = arith.constant 0 : i32
        %dma_wait3A_18 = tpu.memref_slice %arg5[%arg0, %dma_wait3A] : memref<2x10240xf32, #tpu.memory_space<hbm>> -> memref<1x10240xf32, #tpu.memory_space<hbm>>
        %dma_wait3A_19 = tpu.memref_squeeze %dma_wait3A_18 : memref<1x10240xf32, #tpu.memory_space<hbm>> -> memref<10240xf32, #tpu.memory_space<hbm>>
        tpu.wait_dma2 semaphore(%run_scoped3A : memref<!tpu.dma_semaphore, #tpu.memory_space<semaphore_mem>>) src(%arg8 : memref<10240xf32, #tpu.memory_space<vmem_shared>>) dst(%dma_wait3A_19 : memref<10240xf32, #tpu.memory_space<hbm>>)
        tpu.yield
      }) : () -> ()
    } else {
    }
    return
  }
}

#map = affine_map<(d0, d1) -> (0, 0)>
#map1 = affine_map<(d0, d1) -> (0, 0, 0)>
module attributes {stable_mosaic.version = 14 : i64} {
  func.func @_agg_kernel(%arg0: i32, %arg1: i32, %arg2: memref<10240x16xf32, #tpu.memory_space<hbm>>, %arg3: memref<2560x128xi32, #tpu.memory_space<hbm>>, %arg4: memref<2560x128xi32, #tpu.memory_space<hbm>>, %arg5: memref<10240x16xf32, #tpu.memory_space<hbm>>, %arg6: memref<2x10240x16xf32, #tpu.memory_space<hbm>>, %arg7: memref<80x128xi32, #tpu.memory_space<vmem>>, %arg8: memref<80x128xi32, #tpu.memory_space<vmem>>, %arg9: memref<128x16xf32, #tpu.memory_space<vmem>>, %arg10: memref<10240x16xf32, #tpu.memory_space<vmem_shared>>, %arg11: memref<!tpu.dma_semaphore, #tpu.memory_space<semaphore_mem>>) attributes {dimension_semantics = [#tpu.dimension_semantics<core_parallel>, #tpu.dimension_semantics<subcore_parallel>], iteration_bounds = array<i64: 2, 16>, scalar_prefetch = 0 : i64, scratch_operands = 5 : i64, tpu.core_type = #tpu.core_type<sc_vector_subcore>, window_params = [{transform_indices = #map}, {transform_indices = #map}, {transform_indices = #map}, {transform_indices = #map}, {transform_indices = #map1}]} {
    %mul3A = arith.constant 2 : i32
    %mul3A_0 = arith.muli %arg1, %mul3A : i32
    %add3A = arith.addi %mul3A_0, %arg0 : i32
    %eq3A = arith.constant 0 : i32
    %eq3A_1 = arith.cmpi eq, %arg1, %eq3A : i32
    %convert_element_type3A = arith.extui %eq3A_1 : i1 to i32
    %cond3A = arith.constant 0 : i32
    %cond3A_2 = arith.cmpi ne, %convert_element_type3A, %cond3A : i32
    scf.if %cond3A_2 {
      "tpu.region"() ({
        %run_scoped3A = tpu.sem_alloc : memref<!tpu.dma_semaphore, #tpu.memory_space<semaphore_mem>>
        tpu.enqueue_dma source(%arg5 : memref<10240x16xf32, #tpu.memory_space<hbm>>) target(%arg10 : memref<10240x16xf32, #tpu.memory_space<vmem_shared>>) target_semaphore(%run_scoped3A : memref<!tpu.dma_semaphore, #tpu.memory_space<semaphore_mem>>)
        tpu.wait_dma2 semaphore(%run_scoped3A : memref<!tpu.dma_semaphore, #tpu.memory_space<semaphore_mem>>) src(%arg5 : memref<10240x16xf32, #tpu.memory_space<hbm>>) dst(%arg10 : memref<10240x16xf32, #tpu.memory_space<vmem_shared>>)
        tpu.yield
      }) : () -> ()
    } else {
    }
    %mul3A_3 = arith.constant 80 : i32
    %mul3A_4 = arith.muli %add3A, %mul3A_3 : i32
    "tpu.region"() ({
      %run_scoped3A = tpu.sem_alloc : memref<!tpu.dma_semaphore, #tpu.memory_space<semaphore_mem>>
      %dma_start3A = arith.constant 0 : i32
      %dma_start3A_18 = tpu.memref_slice %arg3[%mul3A_4, %dma_start3A] : memref<2560x128xi32, #tpu.memory_space<hbm>> -> memref<80x128xi32, #tpu.memory_space<hbm>>
      %dma_start3A_19 = arith.constant 0 : i32
      %dma_start3A_20 = tpu.memref_slice %arg3[%mul3A_4, %dma_start3A_19] : memref<2560x128xi32, #tpu.memory_space<hbm>> -> memref<80x128xi32, #tpu.memory_space<hbm>>
      tpu.enqueue_dma source(%dma_start3A_20 : memref<80x128xi32, #tpu.memory_space<hbm>>) target(%arg7 : memref<80x128xi32, #tpu.memory_space<vmem>>) target_semaphore(%run_scoped3A : memref<!tpu.dma_semaphore, #tpu.memory_space<semaphore_mem>>)
      %dma_wait3A = arith.constant 0 : i32
      %dma_wait3A_21 = tpu.memref_slice %arg3[%mul3A_4, %dma_wait3A] : memref<2560x128xi32, #tpu.memory_space<hbm>> -> memref<80x128xi32, #tpu.memory_space<hbm>>
      %dma_wait3A_22 = arith.constant 0 : i32
      %dma_wait3A_23 = tpu.memref_slice %arg3[%mul3A_4, %dma_wait3A_22] : memref<2560x128xi32, #tpu.memory_space<hbm>> -> memref<80x128xi32, #tpu.memory_space<hbm>>
      tpu.wait_dma2 semaphore(%run_scoped3A : memref<!tpu.dma_semaphore, #tpu.memory_space<semaphore_mem>>) src(%dma_wait3A_23 : memref<80x128xi32, #tpu.memory_space<hbm>>) dst(%arg7 : memref<80x128xi32, #tpu.memory_space<vmem>>)
      tpu.yield
    }) : () -> ()
    %mul3A_5 = arith.constant 80 : i32
    %mul3A_6 = arith.muli %add3A, %mul3A_5 : i32
    "tpu.region"() ({
      %run_scoped3A = tpu.sem_alloc : memref<!tpu.dma_semaphore, #tpu.memory_space<semaphore_mem>>
      %dma_start3A = arith.constant 0 : i32
      %dma_start3A_18 = tpu.memref_slice %arg4[%mul3A_6, %dma_start3A] : memref<2560x128xi32, #tpu.memory_space<hbm>> -> memref<80x128xi32, #tpu.memory_space<hbm>>
      %dma_start3A_19 = arith.constant 0 : i32
      %dma_start3A_20 = tpu.memref_slice %arg4[%mul3A_6, %dma_start3A_19] : memref<2560x128xi32, #tpu.memory_space<hbm>> -> memref<80x128xi32, #tpu.memory_space<hbm>>
      tpu.enqueue_dma source(%dma_start3A_20 : memref<80x128xi32, #tpu.memory_space<hbm>>) target(%arg8 : memref<80x128xi32, #tpu.memory_space<vmem>>) target_semaphore(%run_scoped3A : memref<!tpu.dma_semaphore, #tpu.memory_space<semaphore_mem>>)
      %dma_wait3A = arith.constant 0 : i32
      %dma_wait3A_21 = tpu.memref_slice %arg4[%mul3A_6, %dma_wait3A] : memref<2560x128xi32, #tpu.memory_space<hbm>> -> memref<80x128xi32, #tpu.memory_space<hbm>>
      %dma_wait3A_22 = arith.constant 0 : i32
      %dma_wait3A_23 = tpu.memref_slice %arg4[%mul3A_6, %dma_wait3A_22] : memref<2560x128xi32, #tpu.memory_space<hbm>> -> memref<80x128xi32, #tpu.memory_space<hbm>>
      tpu.wait_dma2 semaphore(%run_scoped3A : memref<!tpu.dma_semaphore, #tpu.memory_space<semaphore_mem>>) src(%dma_wait3A_23 : memref<80x128xi32, #tpu.memory_space<hbm>>) dst(%arg8 : memref<80x128xi32, #tpu.memory_space<vmem>>)
      tpu.yield
    }) : () -> ()
    %barrier3A = arith.constant 0 : index
    tpu.barrier barrier_id(%barrier3A)
    %scan3A = arith.constant 0 : i32
    %scan3A_7 = arith.constant 0 : i32
    %scan3A_8 = arith.constant 80 : i32
    %scan3A_9 = arith.addi %scan3A_7, %scan3A_8 : i32
    %scan3A_10 = arith.constant 1 : i32
    scf.for %scan3A_18 = %scan3A_7 to %scan3A_9 step %scan3A_10  : i32 {
      %dma_start3A = arith.constant 0 : i32
      %dma_start3A_19 = tpu.memref_slice %arg7[%scan3A_18, %dma_start3A] : memref<80x128xi32, #tpu.memory_space<vmem>> -> memref<1x128xi32, #tpu.memory_space<vmem>>
      %dma_start3A_20 = tpu.memref_squeeze %dma_start3A_19 : memref<1x128xi32, #tpu.memory_space<vmem>> -> memref<128xi32, #tpu.memory_space<vmem>>
      %dma_start3A_21 = arith.constant 0 : i32
      %dma_start3A_22 = arith.constant 0 : i32
      %dma_start3A_23 = tpu.memref_slice %arg2[%dma_start3A_21, %dma_start3A_22] : memref<10240x16xf32, #tpu.memory_space<hbm>> -> memref<10240x16xf32, #tpu.memory_space<hbm>>
      tpu.enqueue_indirect_dma source(%dma_start3A_23 : memref<10240x16xf32, #tpu.memory_space<hbm>>) target(%arg9 : memref<128x16xf32, #tpu.memory_space<vmem>>) offsets(%dma_start3A_20 : memref<128xi32, #tpu.memory_space<vmem>>) semaphore(%arg11 : memref<!tpu.dma_semaphore, #tpu.memory_space<semaphore_mem>>)
      %dma_wait3A = arith.constant 0 : i32
      %dma_wait3A_24 = tpu.memref_slice %arg7[%scan3A_18, %dma_wait3A] : memref<80x128xi32, #tpu.memory_space<vmem>> -> memref<1x128xi32, #tpu.memory_space<vmem>>
      %dma_wait3A_25 = tpu.memref_squeeze %dma_wait3A_24 : memref<1x128xi32, #tpu.memory_space<vmem>> -> memref<128xi32, #tpu.memory_space<vmem>>
      %dma_wait3A_26 = arith.constant 0 : i32
      %dma_wait3A_27 = arith.constant 0 : i32
      %dma_wait3A_28 = tpu.memref_slice %arg2[%dma_wait3A_26, %dma_wait3A_27] : memref<10240x16xf32, #tpu.memory_space<hbm>> -> memref<10240x16xf32, #tpu.memory_space<hbm>>
      tpu.wait_indirect_dma semaphore(%arg11 : memref<!tpu.dma_semaphore, #tpu.memory_space<semaphore_mem>>) src(%dma_wait3A_28 : memref<10240x16xf32, #tpu.memory_space<hbm>>) dst(%arg9 : memref<128x16xf32, #tpu.memory_space<vmem>>)
      "tpu.region"() ({
        %run_scoped3A = tpu.sem_alloc : memref<!tpu.dma_semaphore, #tpu.memory_space<semaphore_mem>>
        %dma_start3A_29 = arith.constant 0 : i32
        %dma_start3A_30 = tpu.memref_slice %arg8[%scan3A_18, %dma_start3A_29] : memref<80x128xi32, #tpu.memory_space<vmem>> -> memref<1x128xi32, #tpu.memory_space<vmem>>
        %dma_start3A_31 = tpu.memref_squeeze %dma_start3A_30 : memref<1x128xi32, #tpu.memory_space<vmem>> -> memref<128xi32, #tpu.memory_space<vmem>>
        %dma_start3A_32 = arith.constant 0 : i32
        %dma_start3A_33 = arith.constant 0 : i32
        %dma_start3A_34 = tpu.memref_slice %arg10[%dma_start3A_32, %dma_start3A_33] : memref<10240x16xf32, #tpu.memory_space<vmem_shared>> -> memref<10240x16xf32, #tpu.memory_space<vmem_shared>>
        tpu.enqueue_indirect_dma source(%arg9 : memref<128x16xf32, #tpu.memory_space<vmem>>) target(%dma_start3A_34 : memref<10240x16xf32, #tpu.memory_space<vmem_shared>>) offsets(%dma_start3A_31 : memref<128xi32, #tpu.memory_space<vmem>>) semaphore(%run_scoped3A : memref<!tpu.dma_semaphore, #tpu.memory_space<semaphore_mem>>) {add = true}
        %dma_wait3A_35 = arith.constant 0 : i32
        %dma_wait3A_36 = tpu.memref_slice %arg8[%scan3A_18, %dma_wait3A_35] : memref<80x128xi32, #tpu.memory_space<vmem>> -> memref<1x128xi32, #tpu.memory_space<vmem>>
        %dma_wait3A_37 = tpu.memref_squeeze %dma_wait3A_36 : memref<1x128xi32, #tpu.memory_space<vmem>> -> memref<128xi32, #tpu.memory_space<vmem>>
        %dma_wait3A_38 = arith.constant 0 : i32
        %dma_wait3A_39 = arith.constant 0 : i32
        %dma_wait3A_40 = tpu.memref_slice %arg10[%dma_wait3A_38, %dma_wait3A_39] : memref<10240x16xf32, #tpu.memory_space<vmem_shared>> -> memref<10240x16xf32, #tpu.memory_space<vmem_shared>>
        tpu.wait_indirect_dma semaphore(%run_scoped3A : memref<!tpu.dma_semaphore, #tpu.memory_space<semaphore_mem>>) src(%arg9 : memref<128x16xf32, #tpu.memory_space<vmem>>) dst(%dma_wait3A_40 : memref<10240x16xf32, #tpu.memory_space<vmem_shared>>)
        tpu.yield
      }) : () -> ()
    }
    %scan3A_11 = arith.constant 80 : i32
    %barrier3A_12 = arith.constant 0 : index
    tpu.barrier barrier_id(%barrier3A_12)
    %eq3A_13 = arith.constant 0 : i32
    %eq3A_14 = arith.cmpi eq, %arg1, %eq3A_13 : i32
    %convert_element_type3A_15 = arith.extui %eq3A_14 : i1 to i32
    %cond3A_16 = arith.constant 0 : i32
    %cond3A_17 = arith.cmpi ne, %convert_element_type3A_15, %cond3A_16 : i32
    scf.if %cond3A_17 {
      "tpu.region"() ({
        %run_scoped3A = tpu.sem_alloc : memref<!tpu.dma_semaphore, #tpu.memory_space<semaphore_mem>>
        %dma_start3A = arith.constant 0 : i32
        %dma_start3A_18 = arith.constant 0 : i32
        %dma_start3A_19 = tpu.memref_slice %arg6[%arg0, %dma_start3A, %dma_start3A_18] : memref<2x10240x16xf32, #tpu.memory_space<hbm>> -> memref<1x10240x16xf32, #tpu.memory_space<hbm>>
        %dma_start3A_20 = tpu.memref_squeeze %dma_start3A_19 : memref<1x10240x16xf32, #tpu.memory_space<hbm>> -> memref<10240x16xf32, #tpu.memory_space<hbm>>
        tpu.enqueue_dma source(%arg10 : memref<10240x16xf32, #tpu.memory_space<vmem_shared>>) target(%dma_start3A_20 : memref<10240x16xf32, #tpu.memory_space<hbm>>) target_semaphore(%run_scoped3A : memref<!tpu.dma_semaphore, #tpu.memory_space<semaphore_mem>>)
        %dma_wait3A = arith.constant 0 : i32
        %dma_wait3A_21 = arith.constant 0 : i32
        %dma_wait3A_22 = tpu.memref_slice %arg6[%arg0, %dma_wait3A, %dma_wait3A_21] : memref<2x10240x16xf32, #tpu.memory_space<hbm>> -> memref<1x10240x16xf32, #tpu.memory_space<hbm>>
        %dma_wait3A_23 = tpu.memref_squeeze %dma_wait3A_22 : memref<1x10240x16xf32, #tpu.memory_space<hbm>> -> memref<10240x16xf32, #tpu.memory_space<hbm>>
        tpu.wait_dma2 semaphore(%run_scoped3A : memref<!tpu.dma_semaphore, #tpu.memory_space<semaphore_mem>>) src(%arg10 : memref<10240x16xf32, #tpu.memory_space<vmem_shared>>) dst(%dma_wait3A_23 : memref<10240x16xf32, #tpu.memory_space<hbm>>)
        tpu.yield
      }) : () -> ()
    } else {
    }
    return
  }
}

#map = affine_map<(d0, d1) -> (0, 0)>
#map1 = affine_map<(d0, d1) -> (0, 0, 0)>
module attributes {stable_mosaic.version = 14 : i64} {
  func.func @_agg_kernel(%arg0: i32, %arg1: i32, %arg2: memref<10240x16xf32, #tpu.memory_space<hbm>>, %arg3: memref<2560x128xi32, #tpu.memory_space<hbm>>, %arg4: memref<2560x128xi32, #tpu.memory_space<hbm>>, %arg5: memref<10240x16xf32, #tpu.memory_space<hbm>>, %arg6: memref<2x10240x16xf32, #tpu.memory_space<hbm>>, %arg7: memref<80x128xi32, #tpu.memory_space<vmem>>, %arg8: memref<80x128xi32, #tpu.memory_space<vmem>>, %arg9: memref<128x16xf32, #tpu.memory_space<vmem>>, %arg10: memref<10240x16xf32, #tpu.memory_space<vmem_shared>>, %arg11: memref<!tpu.dma_semaphore, #tpu.memory_space<semaphore_mem>>) attributes {dimension_semantics = [#tpu.dimension_semantics<core_parallel>, #tpu.dimension_semantics<subcore_parallel>], iteration_bounds = array<i64: 2, 16>, scalar_prefetch = 0 : i64, scratch_operands = 5 : i64, tpu.core_type = #tpu.core_type<sc_vector_subcore>, window_params = [{transform_indices = #map}, {transform_indices = #map}, {transform_indices = #map}, {transform_indices = #map}, {transform_indices = #map1}]} {
    %mul3A = arith.constant 2 : i32
    %mul3A_0 = arith.muli %arg1, %mul3A : i32
    %add3A = arith.addi %mul3A_0, %arg0 : i32
    %eq3A = arith.constant 0 : i32
    %eq3A_1 = arith.cmpi eq, %arg1, %eq3A : i32
    %convert_element_type3A = arith.extui %eq3A_1 : i1 to i32
    %cond3A = arith.constant 0 : i32
    %cond3A_2 = arith.cmpi ne, %convert_element_type3A, %cond3A : i32
    scf.if %cond3A_2 {
      "tpu.region"() ({
        %run_scoped3A = tpu.sem_alloc : memref<!tpu.dma_semaphore, #tpu.memory_space<semaphore_mem>>
        tpu.enqueue_dma source(%arg5 : memref<10240x16xf32, #tpu.memory_space<hbm>>) target(%arg10 : memref<10240x16xf32, #tpu.memory_space<vmem_shared>>) target_semaphore(%run_scoped3A : memref<!tpu.dma_semaphore, #tpu.memory_space<semaphore_mem>>)
        tpu.wait_dma2 semaphore(%run_scoped3A : memref<!tpu.dma_semaphore, #tpu.memory_space<semaphore_mem>>) src(%arg5 : memref<10240x16xf32, #tpu.memory_space<hbm>>) dst(%arg10 : memref<10240x16xf32, #tpu.memory_space<vmem_shared>>)
        tpu.yield
      }) : () -> ()
    } else {
    }
    %mul3A_3 = arith.constant 80 : i32
    %mul3A_4 = arith.muli %add3A, %mul3A_3 : i32
    "tpu.region"() ({
      %run_scoped3A = tpu.sem_alloc : memref<!tpu.dma_semaphore, #tpu.memory_space<semaphore_mem>>
      %dma_start3A = arith.constant 0 : i32
      %dma_start3A_18 = tpu.memref_slice %arg3[%mul3A_4, %dma_start3A] : memref<2560x128xi32, #tpu.memory_space<hbm>> -> memref<80x128xi32, #tpu.memory_space<hbm>>
      %dma_start3A_19 = arith.constant 0 : i32
      %dma_start3A_20 = tpu.memref_slice %arg3[%mul3A_4, %dma_start3A_19] : memref<2560x128xi32, #tpu.memory_space<hbm>> -> memref<80x128xi32, #tpu.memory_space<hbm>>
      tpu.enqueue_dma source(%dma_start3A_20 : memref<80x128xi32, #tpu.memory_space<hbm>>) target(%arg7 : memref<80x128xi32, #tpu.memory_space<vmem>>) target_semaphore(%run_scoped3A : memref<!tpu.dma_semaphore, #tpu.memory_space<semaphore_mem>>)
      %dma_wait3A = arith.constant 0 : i32
      %dma_wait3A_21 = tpu.memref_slice %arg3[%mul3A_4, %dma_wait3A] : memref<2560x128xi32, #tpu.memory_space<hbm>> -> memref<80x128xi32, #tpu.memory_space<hbm>>
      %dma_wait3A_22 = arith.constant 0 : i32
      %dma_wait3A_23 = tpu.memref_slice %arg3[%mul3A_4, %dma_wait3A_22] : memref<2560x128xi32, #tpu.memory_space<hbm>> -> memref<80x128xi32, #tpu.memory_space<hbm>>
      tpu.wait_dma2 semaphore(%run_scoped3A : memref<!tpu.dma_semaphore, #tpu.memory_space<semaphore_mem>>) src(%dma_wait3A_23 : memref<80x128xi32, #tpu.memory_space<hbm>>) dst(%arg7 : memref<80x128xi32, #tpu.memory_space<vmem>>)
      tpu.yield
    }) : () -> ()
    %mul3A_5 = arith.constant 80 : i32
    %mul3A_6 = arith.muli %add3A, %mul3A_5 : i32
    "tpu.region"() ({
      %run_scoped3A = tpu.sem_alloc : memref<!tpu.dma_semaphore, #tpu.memory_space<semaphore_mem>>
      %dma_start3A = arith.constant 0 : i32
      %dma_start3A_18 = tpu.memref_slice %arg4[%mul3A_6, %dma_start3A] : memref<2560x128xi32, #tpu.memory_space<hbm>> -> memref<80x128xi32, #tpu.memory_space<hbm>>
      %dma_start3A_19 = arith.constant 0 : i32
      %dma_start3A_20 = tpu.memref_slice %arg4[%mul3A_6, %dma_start3A_19] : memref<2560x128xi32, #tpu.memory_space<hbm>> -> memref<80x128xi32, #tpu.memory_space<hbm>>
      tpu.enqueue_dma source(%dma_start3A_20 : memref<80x128xi32, #tpu.memory_space<hbm>>) target(%arg8 : memref<80x128xi32, #tpu.memory_space<vmem>>) target_semaphore(%run_scoped3A : memref<!tpu.dma_semaphore, #tpu.memory_space<semaphore_mem>>)
      %dma_wait3A = arith.constant 0 : i32
      %dma_wait3A_21 = tpu.memref_slice %arg4[%mul3A_6, %dma_wait3A] : memref<2560x128xi32, #tpu.memory_space<hbm>> -> memref<80x128xi32, #tpu.memory_space<hbm>>
      %dma_wait3A_22 = arith.constant 0 : i32
      %dma_wait3A_23 = tpu.memref_slice %arg4[%mul3A_6, %dma_wait3A_22] : memref<2560x128xi32, #tpu.memory_space<hbm>> -> memref<80x128xi32, #tpu.memory_space<hbm>>
      tpu.wait_dma2 semaphore(%run_scoped3A : memref<!tpu.dma_semaphore, #tpu.memory_space<semaphore_mem>>) src(%dma_wait3A_23 : memref<80x128xi32, #tpu.memory_space<hbm>>) dst(%arg8 : memref<80x128xi32, #tpu.memory_space<vmem>>)
      tpu.yield
    }) : () -> ()
    %barrier3A = arith.constant 0 : index
    tpu.barrier barrier_id(%barrier3A)
    %scan3A = arith.constant 0 : i32
    %scan3A_7 = arith.constant 0 : i32
    %scan3A_8 = arith.constant 80 : i32
    %scan3A_9 = arith.addi %scan3A_7, %scan3A_8 : i32
    %scan3A_10 = arith.constant 1 : i32
    scf.for %scan3A_18 = %scan3A_7 to %scan3A_9 step %scan3A_10  : i32 {
      %dma_start3A = arith.constant 0 : i32
      %dma_start3A_19 = tpu.memref_slice %arg7[%scan3A_18, %dma_start3A] : memref<80x128xi32, #tpu.memory_space<vmem>> -> memref<1x128xi32, #tpu.memory_space<vmem>>
      %dma_start3A_20 = tpu.memref_squeeze %dma_start3A_19 : memref<1x128xi32, #tpu.memory_space<vmem>> -> memref<128xi32, #tpu.memory_space<vmem>>
      %dma_start3A_21 = arith.constant 0 : i32
      %dma_start3A_22 = arith.constant 0 : i32
      %dma_start3A_23 = tpu.memref_slice %arg2[%dma_start3A_21, %dma_start3A_22] : memref<10240x16xf32, #tpu.memory_space<hbm>> -> memref<10240x16xf32, #tpu.memory_space<hbm>>
      tpu.enqueue_indirect_dma source(%dma_start3A_23 : memref<10240x16xf32, #tpu.memory_space<hbm>>) target(%arg9 : memref<128x16xf32, #tpu.memory_space<vmem>>) offsets(%dma_start3A_20 : memref<128xi32, #tpu.memory_space<vmem>>) semaphore(%arg11 : memref<!tpu.dma_semaphore, #tpu.memory_space<semaphore_mem>>)
      %dma_wait3A = arith.constant 0 : i32
      %dma_wait3A_24 = tpu.memref_slice %arg7[%scan3A_18, %dma_wait3A] : memref<80x128xi32, #tpu.memory_space<vmem>> -> memref<1x128xi32, #tpu.memory_space<vmem>>
      %dma_wait3A_25 = tpu.memref_squeeze %dma_wait3A_24 : memref<1x128xi32, #tpu.memory_space<vmem>> -> memref<128xi32, #tpu.memory_space<vmem>>
      %dma_wait3A_26 = arith.constant 0 : i32
      %dma_wait3A_27 = arith.constant 0 : i32
      %dma_wait3A_28 = tpu.memref_slice %arg2[%dma_wait3A_26, %dma_wait3A_27] : memref<10240x16xf32, #tpu.memory_space<hbm>> -> memref<10240x16xf32, #tpu.memory_space<hbm>>
      tpu.wait_indirect_dma semaphore(%arg11 : memref<!tpu.dma_semaphore, #tpu.memory_space<semaphore_mem>>) src(%dma_wait3A_28 : memref<10240x16xf32, #tpu.memory_space<hbm>>) dst(%arg9 : memref<128x16xf32, #tpu.memory_space<vmem>>)
      "tpu.region"() ({
        %run_scoped3A = tpu.sem_alloc : memref<!tpu.dma_semaphore, #tpu.memory_space<semaphore_mem>>
        %dma_start3A_29 = arith.constant 0 : i32
        %dma_start3A_30 = tpu.memref_slice %arg8[%scan3A_18, %dma_start3A_29] : memref<80x128xi32, #tpu.memory_space<vmem>> -> memref<1x128xi32, #tpu.memory_space<vmem>>
        %dma_start3A_31 = tpu.memref_squeeze %dma_start3A_30 : memref<1x128xi32, #tpu.memory_space<vmem>> -> memref<128xi32, #tpu.memory_space<vmem>>
        %dma_start3A_32 = arith.constant 0 : i32
        %dma_start3A_33 = arith.constant 0 : i32
        %dma_start3A_34 = tpu.memref_slice %arg10[%dma_start3A_32, %dma_start3A_33] : memref<10240x16xf32, #tpu.memory_space<vmem_shared>> -> memref<10240x16xf32, #tpu.memory_space<vmem_shared>>
        tpu.enqueue_indirect_dma source(%arg9 : memref<128x16xf32, #tpu.memory_space<vmem>>) target(%dma_start3A_34 : memref<10240x16xf32, #tpu.memory_space<vmem_shared>>) offsets(%dma_start3A_31 : memref<128xi32, #tpu.memory_space<vmem>>) semaphore(%run_scoped3A : memref<!tpu.dma_semaphore, #tpu.memory_space<semaphore_mem>>) {add = true}
        %dma_wait3A_35 = arith.constant 0 : i32
        %dma_wait3A_36 = tpu.memref_slice %arg8[%scan3A_18, %dma_wait3A_35] : memref<80x128xi32, #tpu.memory_space<vmem>> -> memref<1x128xi32, #tpu.memory_space<vmem>>
        %dma_wait3A_37 = tpu.memref_squeeze %dma_wait3A_36 : memref<1x128xi32, #tpu.memory_space<vmem>> -> memref<128xi32, #tpu.memory_space<vmem>>
        %dma_wait3A_38 = arith.constant 0 : i32
        %dma_wait3A_39 = arith.constant 0 : i32
        %dma_wait3A_40 = tpu.memref_slice %arg10[%dma_wait3A_38, %dma_wait3A_39] : memref<10240x16xf32, #tpu.memory_space<vmem_shared>> -> memref<10240x16xf32, #tpu.memory_space<vmem_shared>>
        tpu.wait_indirect_dma semaphore(%run_scoped3A : memref<!tpu.dma_semaphore, #tpu.memory_space<semaphore_mem>>) src(%arg9 : memref<128x16xf32, #tpu.memory_space<vmem>>) dst(%dma_wait3A_40 : memref<10240x16xf32, #tpu.memory_space<vmem_shared>>)
        tpu.yield
      }) : () -> ()
    }
    %scan3A_11 = arith.constant 80 : i32
    %barrier3A_12 = arith.constant 0 : index
    tpu.barrier barrier_id(%barrier3A_12)
    %eq3A_13 = arith.constant 0 : i32
    %eq3A_14 = arith.cmpi eq, %arg1, %eq3A_13 : i32
    %convert_element_type3A_15 = arith.extui %eq3A_14 : i1 to i32
    %cond3A_16 = arith.constant 0 : i32
    %cond3A_17 = arith.cmpi ne, %convert_element_type3A_15, %cond3A_16 : i32
    scf.if %cond3A_17 {
      "tpu.region"() ({
        %run_scoped3A = tpu.sem_alloc : memref<!tpu.dma_semaphore, #tpu.memory_space<semaphore_mem>>
        %dma_start3A = arith.constant 0 : i32
        %dma_start3A_18 = arith.constant 0 : i32
        %dma_start3A_19 = tpu.memref_slice %arg6[%arg0, %dma_start3A, %dma_start3A_18] : memref<2x10240x16xf32, #tpu.memory_space<hbm>> -> memref<1x10240x16xf32, #tpu.memory_space<hbm>>
        %dma_start3A_20 = tpu.memref_squeeze %dma_start3A_19 : memref<1x10240x16xf32, #tpu.memory_space<hbm>> -> memref<10240x16xf32, #tpu.memory_space<hbm>>
        tpu.enqueue_dma source(%arg10 : memref<10240x16xf32, #tpu.memory_space<vmem_shared>>) target(%dma_start3A_20 : memref<10240x16xf32, #tpu.memory_space<hbm>>) target_semaphore(%run_scoped3A : memref<!tpu.dma_semaphore, #tpu.memory_space<semaphore_mem>>)
        %dma_wait3A = arith.constant 0 : i32
        %dma_wait3A_21 = arith.constant 0 : i32
        %dma_wait3A_22 = tpu.memref_slice %arg6[%arg0, %dma_wait3A, %dma_wait3A_21] : memref<2x10240x16xf32, #tpu.memory_space<hbm>> -> memref<1x10240x16xf32, #tpu.memory_space<hbm>>
        %dma_wait3A_23 = tpu.memref_squeeze %dma_wait3A_22 : memref<1x10240x16xf32, #tpu.memory_space<hbm>> -> memref<10240x16xf32, #tpu.memory_space<hbm>>
        tpu.wait_dma2 semaphore(%run_scoped3A : memref<!tpu.dma_semaphore, #tpu.memory_space<semaphore_mem>>) src(%arg10 : memref<10240x16xf32, #tpu.memory_space<vmem_shared>>) dst(%dma_wait3A_23 : memref<10240x16xf32, #tpu.memory_space<hbm>>)
        tpu.yield
      }) : () -> ()
    } else {
    }
    return
  }
}

module attributes {stable_mosaic.version = 14 : i64} {
  func.func @_tc1_body(%arg0: i32, %arg1: memref<1024x128xf32, #tpu.memory_space<vmem>>, %arg2: memref<128x16xf32, #tpu.memory_space<vmem>>, %arg3: memref<2x1024xf32, #tpu.memory_space<vmem>>, %arg4: memref<1024x16xf32, #tpu.memory_space<vmem>>) attributes {dimension_semantics = [#tpu.dimension_semantics<arbitrary>], iteration_bounds = array<i64: 10>, scalar_prefetch = 0 : i64, scratch_operands = 0 : i64, tpu.core_type = #tpu.core_type<tc>, window_params = [{transform_indices = @transform_0, window_bounds = array<i64: 1024, 128>}, {pipeline_mode = #tpu.pipeline_mode<synchronous>, transform_indices = @transform_1, window_bounds = array<i64: 128, 16>}, {transform_indices = @transform_2, window_bounds = array<i64: 2, 1024>}, {transform_indices = @transform_3, window_bounds = array<i64: 1024, 16>}]} {
    %get3A = arith.constant 0 : index
    %get3A_0 = arith.constant 0 : index
    %get3A_1 = vector.load %arg1[%get3A, %get3A_0] : memref<1024x128xf32, #tpu.memory_space<vmem>>, vector<1024x128xf32>
    %get3A_2 = arith.constant 0 : index
    %get3A_3 = arith.constant 0 : index
    %get3A_4 = vector.load %arg2[%get3A_2, %get3A_3] : memref<128x16xf32, #tpu.memory_space<vmem>>, vector<128x16xf32>
    %dot_general3A = arith.constant dense<0.000000e+00> : vector<1024x16xf32>
    %dot_general3A_5 = tpu.matmul %get3A_1, %get3A_4, %dot_general3A {dimension_numbers = #tpu.dot_dimension_numbers<[1], [0], [0], [1], [0, 0, 1, 1], [], []>, transpose_lhs_hint = false} : vector<1024x128xf32>, vector<128x16xf32>, vector<1024x16xf32> -> vector<1024x16xf32>
    %get3A_6 = arith.constant 0 : index
    %get3A_7 = arith.constant 0 : index
    %get3A_8 = vector.load %arg3[%get3A_6, %get3A_7] : memref<2x1024xf32, #tpu.memory_space<vmem>>, vector<1x1024xf32>
    %get3A_9 = vector.shape_cast %get3A_8 : vector<1x1024xf32> to vector<1024xf32>
    %get3A_10 = arith.constant 1 : index
    %get3A_11 = arith.constant 0 : index
    %get3A_12 = vector.load %arg3[%get3A_10, %get3A_11] : memref<2x1024xf32, #tpu.memory_space<vmem>>, vector<1x1024xf32>
    %get3A_13 = vector.shape_cast %get3A_12 : vector<1x1024xf32> to vector<1024xf32>
    %add3A = arith.addf %get3A_9, %get3A_13 : vector<1024xf32>
    %add3A_14 = arith.constant 1.000000e+00 : f32
    %add3A_15 = vector.broadcast %add3A_14 : f32 to vector<1024xf32>
    %add3A_16 = arith.addf %add3A, %add3A_15 : vector<1024xf32>
    %rsqrt3A = math.rsqrt %add3A_16 : vector<1024xf32>
    %broadcast_in_dim3A = vector.shape_cast %rsqrt3A : vector<1024xf32> to vector<1024x1xf32>
    %mul3A = vector.broadcast %broadcast_in_dim3A : vector<1024x1xf32> to vector<1024x16xf32>
    %mul3A_17 = arith.mulf %dot_general3A_5, %mul3A : vector<1024x16xf32>
    %swap3A = arith.constant 0 : index
    %swap3A_18 = arith.constant 0 : index
    %swap3A_19 = vector.load %arg4[%swap3A, %swap3A_18] : memref<1024x16xf32, #tpu.memory_space<vmem>>, vector<1024x16xf32>
    tpu.vector_store %arg4[%swap3A, %swap3A_18], %mul3A_17 {strides = array<i32>} : memref<1024x16xf32, #tpu.memory_space<vmem>>, vector<1024x16xf32>,
    return
  }
  func.func @transform_0(%arg0: i32) -> (i32, i32) {
    %c0_i32 = arith.constant 0 : i32
    %c0_i32_0 = arith.constant 0 : i32
    return %arg0, %c0_i32 : i32, i32
  }
  func.func @transform_1(%arg0: i32) -> (i32, i32) {
    %c0_i32 = arith.constant 0 : i32
    %c0_i32_0 = arith.constant 0 : i32
    %c0_i32_1 = arith.constant 0 : i32
    return %c0_i32, %c0_i32_0 : i32, i32
  }
  func.func @transform_2(%arg0: i32) -> (i32, i32) {
    %c0_i32 = arith.constant 0 : i32
    %c0_i32_0 = arith.constant 0 : i32
    return %c0_i32, %arg0 : i32, i32
  }
  func.func @transform_3(%arg0: i32) -> (i32, i32) {
    %c0_i32 = arith.constant 0 : i32
    %c0_i32_0 = arith.constant 0 : i32
    return %arg0, %c0_i32 : i32, i32
  }
}

module attributes {stable_mosaic.version = 14 : i64} {
  func.func @_tc2_body(%arg0: i32, %arg1: memref<2x1024x16xf32, #tpu.memory_space<vmem>>, %arg2: memref<1024x16xf32, #tpu.memory_space<vmem>>, %arg3: memref<2x1024xf32, #tpu.memory_space<vmem>>, %arg4: memref<1x16xf32, #tpu.memory_space<vmem>>, %arg5: memref<1024x16xf32, #tpu.memory_space<vmem>>) attributes {dimension_semantics = [#tpu.dimension_semantics<arbitrary>], iteration_bounds = array<i64: 10>, scalar_prefetch = 0 : i64, scratch_operands = 0 : i64, tpu.core_type = #tpu.core_type<tc>, window_params = [{transform_indices = @transform_0, window_bounds = array<i64: 2, 1024, 16>}, {transform_indices = @transform_1, window_bounds = array<i64: 1024, 16>}, {transform_indices = @transform_2, window_bounds = array<i64: 2, 1024>}, {pipeline_mode = #tpu.pipeline_mode<synchronous>, transform_indices = @transform_3, window_bounds = array<i64: 1, 16>}, {transform_indices = @transform_4, window_bounds = array<i64: 1024, 16>}]} {
    %get3A = arith.constant 0 : index
    %get3A_0 = arith.constant 0 : index
    %get3A_1 = vector.load %arg3[%get3A, %get3A_0] : memref<2x1024xf32, #tpu.memory_space<vmem>>, vector<1x1024xf32>
    %get3A_2 = vector.shape_cast %get3A_1 : vector<1x1024xf32> to vector<1024xf32>
    %get3A_3 = arith.constant 1 : index
    %get3A_4 = arith.constant 0 : index
    %get3A_5 = vector.load %arg3[%get3A_3, %get3A_4] : memref<2x1024xf32, #tpu.memory_space<vmem>>, vector<1x1024xf32>
    %get3A_6 = vector.shape_cast %get3A_5 : vector<1x1024xf32> to vector<1024xf32>
    %add3A = arith.addf %get3A_2, %get3A_6 : vector<1024xf32>
    %add3A_7 = arith.constant 1.000000e+00 : f32
    %add3A_8 = vector.broadcast %add3A_7 : f32 to vector<1024xf32>
    %add3A_9 = arith.addf %add3A, %add3A_8 : vector<1024xf32>
    %rsqrt3A = math.rsqrt %add3A_9 : vector<1024xf32>
    %broadcast_in_dim3A = vector.shape_cast %rsqrt3A : vector<1024xf32> to vector<1024x1xf32>
    %get3A_10 = arith.constant 0 : index
    %get3A_11 = arith.constant 0 : index
    %get3A_12 = arith.constant 0 : index
    %get3A_13 = vector.load %arg1[%get3A_10, %get3A_11, %get3A_12] : memref<2x1024x16xf32, #tpu.memory_space<vmem>>, vector<1x1024x16xf32>
    %get3A_14 = vector.shape_cast %get3A_13 : vector<1x1024x16xf32> to vector<1024x16xf32>
    %get3A_15 = arith.constant 1 : index
    %get3A_16 = arith.constant 0 : index
    %get3A_17 = arith.constant 0 : index
    %get3A_18 = vector.load %arg1[%get3A_15, %get3A_16, %get3A_17] : memref<2x1024x16xf32, #tpu.memory_space<vmem>>, vector<1x1024x16xf32>
    %get3A_19 = vector.shape_cast %get3A_18 : vector<1x1024x16xf32> to vector<1024x16xf32>
    %add3A_20 = arith.addf %get3A_14, %get3A_19 : vector<1024x16xf32>
    %get3A_21 = arith.constant 0 : index
    %get3A_22 = arith.constant 0 : index
    %get3A_23 = vector.load %arg2[%get3A_21, %get3A_22] : memref<1024x16xf32, #tpu.memory_space<vmem>>, vector<1024x16xf32>
    %add3A_24 = arith.addf %add3A_20, %get3A_23 : vector<1024x16xf32>
    %mul3A = vector.broadcast %broadcast_in_dim3A : vector<1024x1xf32> to vector<1024x16xf32>
    %mul3A_25 = arith.mulf %mul3A, %add3A_24 : vector<1024x16xf32>
    %get3A_26 = arith.constant 0 : index
    %get3A_27 = arith.constant 0 : index
    %get3A_28 = vector.load %arg4[%get3A_26, %get3A_27] : memref<1x16xf32, #tpu.memory_space<vmem>>, vector<1x16xf32>
    %add3A_29 = vector.broadcast %get3A_28 : vector<1x16xf32> to vector<1024x16xf32>
    %add3A_30 = arith.addf %mul3A_25, %add3A_29 : vector<1024x16xf32>
    %max3A = arith.constant 0.000000e+00 : f32
    %max3A_31 = vector.broadcast %max3A : f32 to vector<1024x16xf32>
    %max3A_32 = arith.maximumf %add3A_30, %max3A_31 : vector<1024x16xf32>
    %mul3A_33 = vector.broadcast %broadcast_in_dim3A : vector<1024x1xf32> to vector<1024x16xf32>
    %mul3A_34 = arith.mulf %mul3A_33, %max3A_32 : vector<1024x16xf32>
    %swap3A = arith.constant 0 : index
    %swap3A_35 = arith.constant 0 : index
    %swap3A_36 = vector.load %arg5[%swap3A, %swap3A_35] : memref<1024x16xf32, #tpu.memory_space<vmem>>, vector<1024x16xf32>
    tpu.vector_store %arg5[%swap3A, %swap3A_35], %mul3A_34 {strides = array<i32>} : memref<1024x16xf32, #tpu.memory_space<vmem>>, vector<1024x16xf32>,
    return
  }
  func.func @transform_0(%arg0: i32) -> (i32, i32, i32) {
    %c0_i32 = arith.constant 0 : i32
    %c0_i32_0 = arith.constant 0 : i32
    %c0_i32_1 = arith.constant 0 : i32
    return %c0_i32, %arg0, %c0_i32_0 : i32, i32, i32
  }
  func.func @transform_1(%arg0: i32) -> (i32, i32) {
    %c0_i32 = arith.constant 0 : i32
    %c0_i32_0 = arith.constant 0 : i32
    return %arg0, %c0_i32 : i32, i32
  }
  func.func @transform_2(%arg0: i32) -> (i32, i32) {
    %c0_i32 = arith.constant 0 : i32
    %c0_i32_0 = arith.constant 0 : i32
    return %c0_i32, %arg0 : i32, i32
  }
  func.func @transform_3(%arg0: i32) -> (i32, i32) {
    %c0_i32 = arith.constant 0 : i32
    %c0_i32_0 = arith.constant 0 : i32
    %c0_i32_1 = arith.constant 0 : i32
    return %c0_i32, %c0_i32_0 : i32, i32
  }
  func.func @transform_4(%arg0: i32) -> (i32, i32) {
    %c0_i32 = arith.constant 0 : i32
    %c0_i32_0 = arith.constant 0 : i32
    return %arg0, %c0_i32 : i32, i32
  }
}

module attributes {stable_mosaic.version = 14 : i64} {
  func.func @_tc3_body(%arg0: i32, %arg1: memref<2x1024x16xf32, #tpu.memory_space<vmem>>, %arg2: memref<1024x16xf32, #tpu.memory_space<vmem>>, %arg3: memref<2x1024xf32, #tpu.memory_space<vmem>>, %arg4: memref<16x40xf32, #tpu.memory_space<vmem>>, %arg5: memref<1x40xf32, #tpu.memory_space<vmem>>, %arg6: memref<1024x40xf32, #tpu.memory_space<vmem>>) attributes {dimension_semantics = [#tpu.dimension_semantics<arbitrary>], iteration_bounds = array<i64: 10>, scalar_prefetch = 0 : i64, scratch_operands = 0 : i64, tpu.core_type = #tpu.core_type<tc>, window_params = [{transform_indices = @transform_0, window_bounds = array<i64: 2, 1024, 16>}, {transform_indices = @transform_1, window_bounds = array<i64: 1024, 16>}, {transform_indices = @transform_2, window_bounds = array<i64: 2, 1024>}, {pipeline_mode = #tpu.pipeline_mode<synchronous>, transform_indices = @transform_3, window_bounds = array<i64: 16, 40>}, {pipeline_mode = #tpu.pipeline_mode<synchronous>, transform_indices = @transform_4, window_bounds = array<i64: 1, 40>}, {transform_indices = @transform_5, window_bounds = array<i64: 1024, 40>}]} {
    %get3A = arith.constant 0 : index
    %get3A_0 = arith.constant 0 : index
    %get3A_1 = vector.load %arg3[%get3A, %get3A_0] : memref<2x1024xf32, #tpu.memory_space<vmem>>, vector<1x1024xf32>
    %get3A_2 = vector.shape_cast %get3A_1 : vector<1x1024xf32> to vector<1024xf32>
    %get3A_3 = arith.constant 1 : index
    %get3A_4 = arith.constant 0 : index
    %get3A_5 = vector.load %arg3[%get3A_3, %get3A_4] : memref<2x1024xf32, #tpu.memory_space<vmem>>, vector<1x1024xf32>
    %get3A_6 = vector.shape_cast %get3A_5 : vector<1x1024xf32> to vector<1024xf32>
    %add3A = arith.addf %get3A_2, %get3A_6 : vector<1024xf32>
    %add3A_7 = arith.constant 1.000000e+00 : f32
    %add3A_8 = vector.broadcast %add3A_7 : f32 to vector<1024xf32>
    %add3A_9 = arith.addf %add3A, %add3A_8 : vector<1024xf32>
    %rsqrt3A = math.rsqrt %add3A_9 : vector<1024xf32>
    %broadcast_in_dim3A = vector.shape_cast %rsqrt3A : vector<1024xf32> to vector<1024x1xf32>
    %get3A_10 = arith.constant 0 : index
    %get3A_11 = arith.constant 0 : index
    %get3A_12 = arith.constant 0 : index
    %get3A_13 = vector.load %arg1[%get3A_10, %get3A_11, %get3A_12] : memref<2x1024x16xf32, #tpu.memory_space<vmem>>, vector<1x1024x16xf32>
    %get3A_14 = vector.shape_cast %get3A_13 : vector<1x1024x16xf32> to vector<1024x16xf32>
    %get3A_15 = arith.constant 1 : index
    %get3A_16 = arith.constant 0 : index
    %get3A_17 = arith.constant 0 : index
    %get3A_18 = vector.load %arg1[%get3A_15, %get3A_16, %get3A_17] : memref<2x1024x16xf32, #tpu.memory_space<vmem>>, vector<1x1024x16xf32>
    %get3A_19 = vector.shape_cast %get3A_18 : vector<1x1024x16xf32> to vector<1024x16xf32>
    %add3A_20 = arith.addf %get3A_14, %get3A_19 : vector<1024x16xf32>
    %get3A_21 = arith.constant 0 : index
    %get3A_22 = arith.constant 0 : index
    %get3A_23 = vector.load %arg2[%get3A_21, %get3A_22] : memref<1024x16xf32, #tpu.memory_space<vmem>>, vector<1024x16xf32>
    %add3A_24 = arith.addf %add3A_20, %get3A_23 : vector<1024x16xf32>
    %mul3A = vector.broadcast %broadcast_in_dim3A : vector<1024x1xf32> to vector<1024x16xf32>
    %mul3A_25 = arith.mulf %mul3A, %add3A_24 : vector<1024x16xf32>
    %get3A_26 = arith.constant 0 : index
    %get3A_27 = arith.constant 0 : index
    %get3A_28 = vector.load %arg4[%get3A_26, %get3A_27] : memref<16x40xf32, #tpu.memory_space<vmem>>, vector<16x40xf32>
    %dot_general3A = arith.constant dense<0.000000e+00> : vector<1024x40xf32>
    %dot_general3A_29 = tpu.matmul %mul3A_25, %get3A_28, %dot_general3A {dimension_numbers = #tpu.dot_dimension_numbers<[1], [0], [0], [1], [0, 0, 1, 1], [], []>, transpose_lhs_hint = false} : vector<1024x16xf32>, vector<16x40xf32>, vector<1024x40xf32> -> vector<1024x40xf32>
    %get3A_30 = arith.constant 0 : index
    %get3A_31 = arith.constant 0 : index
    %get3A_32 = vector.load %arg5[%get3A_30, %get3A_31] : memref<1x40xf32, #tpu.memory_space<vmem>>, vector<1x40xf32>
    %add3A_33 = vector.broadcast %get3A_32 : vector<1x40xf32> to vector<1024x40xf32>
    %add3A_34 = arith.addf %dot_general3A_29, %add3A_33 : vector<1024x40xf32>
    %swap3A = arith.constant 0 : index
    %swap3A_35 = arith.constant 0 : index
    %swap3A_36 = vector.load %arg6[%swap3A, %swap3A_35] : memref<1024x40xf32, #tpu.memory_space<vmem>>, vector<1024x40xf32>
    tpu.vector_store %arg6[%swap3A, %swap3A_35], %add3A_34 {strides = array<i32>} : memref<1024x40xf32, #tpu.memory_space<vmem>>, vector<1024x40xf32>,
    return
  }
  func.func @transform_0(%arg0: i32) -> (i32, i32, i32) {
    %c0_i32 = arith.constant 0 : i32
    %c0_i32_0 = arith.constant 0 : i32
    %c0_i32_1 = arith.constant 0 : i32
    return %c0_i32, %arg0, %c0_i32_0 : i32, i32, i32
  }
  func.func @transform_1(%arg0: i32) -> (i32, i32) {
    %c0_i32 = arith.constant 0 : i32
    %c0_i32_0 = arith.constant 0 : i32
    return %arg0, %c0_i32 : i32, i32
  }
  func.func @transform_2(%arg0: i32) -> (i32, i32) {
    %c0_i32 = arith.constant 0 : i32
    %c0_i32_0 = arith.constant 0 : i32
    return %c0_i32, %arg0 : i32, i32
  }
  func.func @transform_3(%arg0: i32) -> (i32, i32) {
    %c0_i32 = arith.constant 0 : i32
    %c0_i32_0 = arith.constant 0 : i32
    %c0_i32_1 = arith.constant 0 : i32
    return %c0_i32, %c0_i32_0 : i32, i32
  }
  func.func @transform_4(%arg0: i32) -> (i32, i32) {
    %c0_i32 = arith.constant 0 : i32
    %c0_i32_0 = arith.constant 0 : i32
    %c0_i32_1 = arith.constant 0 : i32
    return %c0_i32, %c0_i32_0 : i32, i32
  }
  func.func @transform_5(%arg0: i32) -> (i32, i32) {
    %c0_i32 = arith.constant 0 : i32
    %c0_i32_0 = arith.constant 0 : i32
    return %arg0, %c0_i32 : i32, i32
  }
}

</mosaic_0001>

<sc_bundles>
// kernel: kernel.11.cloned.1.call-start
scs
__scs_entry_jumppad:
0x0: {  	(pc) =	sbr.rel $0x88, $3  }
0x1: {  	(tag) =	ssettag $0x0;
	lr =	simm.s32 $0x1  }
0x2: {  	[smem:$0x3F9B] =	sst lr;
	_ =	strace $0xD0000000  }
0x3: {  	_ = 	snop  }
0x4: {  	_ = 	snop  }
0x5: {  	_ = 	snop  }
0x6: {  	_ = 	snop  }
0x7: {  	_ = 	snop  }
__scs_overlays_trampoline_lowered:
0x8: {  	[smem:$0x3FAA] =	sst s0  }
0x9: {  	[smem:$0x3FAB] =	sst s1  }
0xa: {  	[smem:$0x3FAC] =	sst s2  }
0xb: {  	[smem:$0x3FAD] =	sst s3  }
0xc: {  	[smem:$0x3FAE] =	sst s4  }
0xd: {  	[smem:$0x3FAF] =	sst s5  }
0xe: {  	[smem:$0x3FB0] =	sst s6  }
0xf: {  	[smem:$0x3FB1] =	sst s7  }
0x10: {  	[smem:$0x3FB2] =	sst s8  }
0x11: {  	[smem:$0x3FB3] =	sst s9;
	s0 =	simm.s32 @!p0 $0x0  }
0x12: {  	s1 =	sld [smem:$0x3F99];
	s0 =	simm.s32 @p0 $0x1  }
0x13: {  	[smem:$0x3FB4] =	sst s0;
	s0 =	simm.s32 @!p1 $0x0  }
0x14: {  	s2 =	sld [smem:$0x3F98];
	s0 =	simm.s32 @p1 $0x1  }
0x15: {  	[smem:$0x3FB5] =	sst s0;
	s0 =	simm.s32 @!p2 $0x0  }
0x16: {  	s3 =	sld [smem:$0x3FDB];
	s0 =	simm.s32 @p2 $0x1  }
0x17: {  	s4 =	simm.s32 $0x1BF5;
	[smem:$0x3FB7] =	sst s0  }
0x18: {  	s0 =	sld [smem:$0x3F9A];
	_ =	swait.ge [sflag:s4], $0x0  }
0x19: {  	s7 =	sld [smem:$0x3F9B]  }
0x1a: {  	s8 =	sadd.s32 $0xFFFFE003, lr  }
0x1b: {  	s9 =	sadd.s32 $0xFFFFFEF7, lr;
	s5 =	simm.s32 $0xFFFFFFFF;
	p2 =	slt.u32 s8, $0xFFFFF086  }
0x1c: {  	p1 =	slt.u32 s9, $0xF7A;
	s5 =	simm.s32 @!p2 $0x0  }
0x1d: {  	s5 =	simm.s32 @p1 $0x1;
	p0 =	seq.s32 s7, s2  }
0x1e: {  	s7 =	smul.u32 @!p0 $0xF7A, s2;
	p2 =	seq.s32 @!p0 s5, $0x0  }
0x1f: {  	s9 =	smul.u32 $0xF7A, s1;
	s8 =	simm.s32 @!p0 $0x1BF5;
	p2 =	por !p2, p0  }
0x20: {  	[sflag:s8] =	ssyncset.s32 @!p0 $0xFFFFF086;
	s6 =	sadd.s32 @!p0 s3, s7;
	s7 =	simm.s32 @!p0 $0x108  }
0x21: {  	s3 =	sadd.s32 s3, s9;
	s6 =	sadd.s32 @!p0 $0x88, s6;
	s7 =	simm.s32 @p2 $0x1082  }
0x22: {  	[simem:s7], [sflag:s8] =	dma.local @!p0 [hbm:s6], $0xF7A  }
0x23: {  	s9 =	sor.u32 $0xD0000000, s2;
	s6 =	simm.s32 $0x108;
	_ =	swait.ge @!p0 [sflag:s8], $0x0  }
0x24: {  	s3 =	sadd.s32 $0x88, s3;
	s6 =	simm.s32 @!p1 $0x1082;
	[sflag:s4] =	ssyncset.s32 $0xFFFFF086  }
0x25: {  	[simem:s6], [sflag:s4] =	dma.local [hbm:s3], $0xF7A  }
0x26: {  	[smem:$0x3F9B] =	sst s1;
	(tag) =	ssettag s2;
	_ =	strace s9  }
0x27: {  	s1 =	sld [smem:$0x3FAB]  }
0x28: {  	s2 =	sld [smem:$0x3FAC]  }
0x29: {  	s4 =	sld [smem:$0x3FAE]  }
0x2a: {  	p0 =	seq.s32 s5, $0x0;
	s5 =	sld [smem:$0x3FAF]  }
0x2b: {  	s6 =	sld [smem:$0x3FB0]  }
0x2c: {  	s7 =	sld [smem:$0x3FB1]  }
0x2d: {  	s3 =	simm.s32 $0x108;
	s8 =	sld [smem:$0x3FB2]  }
0x2e: {  	s3 =	simm.s32 @!p0 $0x1082;
	s9 =	sld [smem:$0x3FB3]  }
0x2f: {  	lr =	sadd.s32 s0, s3;
	s0 =	sld [smem:$0x3FAA]  }
0x30: {  	s3 =	sld [smem:$0x3FAD]  }
0x31: {  	[smem:$0x3FB6] =	sst s10  }
0x32: {  	s10 =	sld [smem:$0x3FB4];
	_ =	sdelay $0x3  }
0x33: {  	p0 =	seq.s32 s10, $0x1;
	s10 =	sld [smem:$0x3FB6];
	_ =	sdelay $0x3  }
0x34: {  	[smem:$0x3FB6] =	sst s10  }
0x35: {  	s10 =	sld [smem:$0x3FB5];
	_ =	sdelay $0x3  }
0x36: {  	p1 =	seq.s32 s10, $0x1;
	s10 =	sld [smem:$0x3FB6];
	_ =	sdelay $0x3  }
0x37: {  	[smem:$0x3FB6] =	sst s10  }
0x38: {  	s10 =	sld [smem:$0x3FB7]  }
0x39: {  	_ = 	snop;
	(pc) =	sbr.ind lr, $3  }
0x3a: {  	_ = 	snop  }
0x3b: {  	_ = 	snop  }
0x3c: {  	p2 =	seq.s32 s10, $0x1;
	s10 =	sld [smem:$0x3FB6]  }
0x3d: {  	_ =	shalt  }
0x3e: {  	_ =	shalt  }
0x3f: {  	_ =	shalt  }
0x40: {  	_ =	shalt  }
0x41: {  	_ =	shalt  }
0x42: {  	_ =	shalt  }
0x43: {  	_ =	shalt  }
0x44: {  	_ =	shalt  }
0x45: {  	_ =	shalt  }
0x46: {  	_ =	shalt  }
0x47: {  	_ =	shalt  }
0x48: {  	_ =	shalt  }
0x49: {  	_ =	shalt  }
0x4a: {  	_ =	shalt  }
0x4b: {  	_ =	shalt  }
0x4c: {  	_ =	shalt  }
0x4d: {  	_ =	shalt  }
0x4e: {  	_ =	shalt  }
0x4f: {  	_ =	shalt  }
0x50: {  	_ =	shalt  }
0x51: {  	_ =	shalt  }
0x52: {  	_ =	shalt  }
0x53: {  	_ =	shalt  }
0x54: {  	_ =	shalt  }
0x55: {  	_ =	shalt  }
0x56: {  	_ =	shalt  }
0x57: {  	_ =	shalt  }
0x58: {  	_ =	shalt  }
0x59: {  	_ =	shalt  }
0x5a: {  	_ =	shalt  }
0x5b: {  	_ =	shalt  }
0x5c: {  	_ =	shalt  }
0x5d: {  	_ =	shalt  }
0x5e: {  	_ =	shalt  }
0x5f: {  	_ =	shalt  }
0x60: {  	_ =	shalt  }
0x61: {  	_ =	shalt  }
0x62: {  	_ =	shalt  }
0x63: {  	_ =	shalt  }
0x64: {  	_ =	shalt  }
0x65: {  	_ =	shalt  }
0x66: {  	_ =	shalt  }
0x67: {  	_ =	shalt  }
0x68: {  	_ =	shalt  }
0x69: {  	_ =	shalt  }
0x6a: {  	_ =	shalt  }
0x6b: {  	_ =	shalt  }
0x6c: {  	_ =	shalt  }
0x6d: {  	_ =	shalt  }
0x6e: {  	_ =	shalt  }
0x6f: {  	_ =	shalt  }
0x70: {  	_ =	shalt  }
0x71: {  	_ =	shalt  }
0x72: {  	_ =	shalt  }
0x73: {  	_ =	shalt  }
0x74: {  	_ =	shalt  }
0x75: {  	_ =	shalt  }
0x76: {  	_ =	shalt  }
0x77: {  	_ =	shalt  }
0x78: {  	_ =	shalt  }
0x79: {  	_ =	shalt  }
0x7a: {  	_ =	shalt  }
0x7b: {  	_ =	shalt  }
0x7c: {  	_ =	shalt  }
0x7d: {  	_ =	shalt  }
0x7e: {  	_ =	shalt  }
0x7f: {  	_ =	shalt  }
0x80: {  	_ =	shalt  }
0x81: {  	_ =	shalt  }
0x82: {  	_ =	shalt  }
0x83: {  	_ =	shalt  }
0x84: {  	_ =	shalt  }
0x85: {  	_ =	shalt  }
0x86: {  	_ =	shalt  }
0x87: {  	_ =	shalt  }
.Lfunc_end0:
.L_simem_size_0:
called_computation.1_lowered:
.L_overlay_start_0:
0x88: {  	s2 =	sld [smem:$0x3FD9]  }
0x89: {  	s3 =	sld [smem:$0x3FFE];
	_ =	sdelay $0x1  }
0x8a: {  	s1 =	srdreg.scid  }
0x8b: {  	s0 =	sand.u32 $0x1, s1  }
0x8c: {  	s17 =	sshll.u32 s0, $0xA;
	s2 =	sadd.s32 s3, s2  }
0x8d: {  	s2 =	sadd.s32 s2, s17  }
0x8e: {  	[smem:$0x3FC2] =	sst s2  }
0x8f: {  	_ = 	snop  }
0x90: {  	s2 =	sld [smem:$0x3FD0];
	(tm) =	ssettm $0x1  }
0x91: {  	s18 =	sld [smem:$0x3FFB];
	_ =	sdelay $0x3  }
0x92: {  	_ =	strace s18  }
0x93: {  	s3 =	sld [smem:$0x3FFC];
	_ =	sdelay $0x3  }
0x94: {  	_ =	strace s3  }
0x95: {  	s3 =	sld [smem:$0x3FFD];
	_ =	sdelay $0x3  }
0x96: {  	_ =	strace s3  }
0x97: {  	_ =	strace $0x8FFFFFFF  }
0x98: {  	s19 =	sld [smem:$0x3FDB];
	_ =	sdelay $0x1  }
0x99: {  	s4 =	simm.s32 $_scs_section_size  }
0x9a: {  	s5 =	simm.s32 $_size__tile_overlayer_lowered;
	s6 =	simm.s32 $_tile_overlayer_lowered  }
0x9b: {  	s22 =	simm.s32 $0x1BFF;
	s21 =	sshll.u32 s6, $0x1;
	s3 =	sadd.s32 s4, s19  }
0x9c: {  	s7 =	simm.s32 $0x0;
	s20 =	sshll.u32 s5, $0x1;
	s5 =	sadd.s32 s21, s3  }
0x9d: {  	[timem:s7], [sflag:s22] =	dma.local [hbm:s5], s20  }
0x9e: {  	_ =	swait.ge [sflag:s22], s20  }
0x9f: {  	s4 =	ssub.s32 $0x0, s20;
	[sflag:s22] =	ssyncset.done $0x0  }
0xa0: {  	[sflag:s22] =	ssyncadd.s32 s4;
	_ =	sdelay $0x1  }
0xa1: {  	s23 =	simm.s32 $0x1B8B  }
0xa2: {  	_ =	swait.ge [sflag:s23], $0x1  }
0xa3: {  	[sflag:s23] =	ssyncset.done $0x0  }
0xa4: {  	s25 =	simm.s32 $0x1B8E;
	s24 =	sld [smem:$0x3FFE];
	[sflag:s23] =	ssyncadd.s32 $0xFFFFFFFF  }
0xa5: {  	s26 =	simm.s32 $execute0_lowered;
	[smem:$0x3FD2] =	sst s25  }
0xa6: {  	s5 =	sshll.u32 s26, $0x1;
	_ =	strace $0x80000049;
	[dreg:$0x1] =	wrdreg $0xFFFFFFFF  }
0xa7: {  	s28 =	simm.s32 $_size_execute0_lowered;
	s3 =	sadd.s32 s3, s5;
	[dreg:$0x0] =	wrdreg $0x0  }
0xa8: {  	s5 =	sshll.u32 s28, $0x1;
	[dreg:$0x2] =	wrdreg s3  }
0xa9: {  	[dreg:$0x3] =	wrdreg s5  }
0xaa: {  	[dreg:$0x4] =	wrdreg $0xC0  }
0xab: {  	_ =	task [dreg:s7], $0x5FFFF  }
0xac: {  	[dreg:$0x1] =	wrdreg $0xFFFFFFFF  }
0xad: {  	[dreg:$0x0] =	wrdreg $0x60  }
0xae: {  	[dreg:$0x2] =	wrdreg s24  }
0xaf: {  	[dreg:$0x3] =	wrdreg s2  }
0xb0: {  	[dreg:$0x4] =	wrdreg $0x58000  }
0xb1: {  	[dreg:$0x5] =	wrdreg $0x9  }
0xb2: {  	_ =	task.clear_ibuf [dreg:s7], $0x6FFFF;
	_ =	strace $0x90000049  }
0xb3: {  	s29 =	simm.s32 $0x9;
	_ =	strace $0x8000004B  }
0xb4: {  	_ =	swait.ge [sflag:s29], $0x1  }
0xb5: {  	[sflag:s29] =	ssyncadd.s32 $0xFFFFFFFF  }
0xb6: {  	_ =	strace $0x9000004B  }
0xb7: {  	_ =	sfence  }
0xb8: {  	s30 =	sld [smem:$0x0];
	_ =	sdelay $0x2  }
0xb9: {  	s31 =	sshll.u32 s1, $0xD;
	s1 =	sshrl.u32 s1, $0x2  }
0xba: {  	s3 =	sand.u32 $0x4000, s31;
	s1 =	sadd.s32 s1, s30  }
0xbb: {  	s0 =	sor.u32 s3, s0;
	s1 =	sshll.u32 s1, $0x11  }
0xbc: {  	s0 =	sor.u32 s1, s0  }
0xbd: {  	s0 =	sadd.s32 $0x8F2B, s0  }
0xbe: {  	[sflag:s0] =	ssyncadd.remote.s32 $0x1  }
0xbf: {  	_ =	sfence.sel $0xFFFF  }
0xc0: {  	[dreg:$0x0] =	wrdreg $0xFFFFFFFF;
	(pc) =	sbr.abs _section_cstart, $3  }
0xc1: {  	[dreg:$0x1] =	wrdreg $0xFFFFFFFF  }
0xc2: {  	_ =	task.clear_ibuf [dreg:s7], $0x2FFFF;
	_ =	strace $0x9FFFFFFF  }
0xc3: {  	(tm) =	ssettm $0x7FFFFFFF  }
tec
execute0_lowered:
.L_overlay_start_1:
0x0: {  	(tag) =	ssettag $0x1  }
0x1: {  	s5 =	rddreg [dreg:$0x0]  }
0x2: {  	s6 =	rddreg [dreg:$0x1];
	s0 =	srdreg.scid  }
0x3: {  	s7 =	stileid.u32;
	s1 =	rddreg [dreg:$0x2];
	s2 =	simm.s32 $0x0  }
0x4: {  	s13 =	simm.s32 $0x5000;
	s14 =	simm.s32 $0x1;
	s15 =	simm.s32 $0x0  }
0x5: {  	s3 =	sand.u32 $0x1, s0;
	s4 =	sshll.u32 s7, $0x1;
	s0 =	rddreg [dreg:$0x3]  }
0x6: {  	[smem:$0x7FF] =	sst s2;
	p0 =	sne.s32 s7, $0x0;
	s4 =	sor.u32 s3, s4  }
0x7: {  	_ =	strace $0x8000004A;
	s9 =	smul.u32 $0x5000, s3;
	s10 =	ssub.s32 $0x2, s3  }
0x8: {  	s3 =	sadd.s32 $0xC600, s5;
	s8 =	smul.u32 $0x500, s4;
	s12 =	sshrl.u32 s10, $0x1  }
0x9: {  	s4 =	sadd.s32 $0x11600, s5;
	s9 =	sadd.s32 s9, s5;
	s10 =	ssub.s32 s10, s12  }
0xa: {  	s12 =	simm.s32 $0x80;
	s11 =	sadd.s32 s8, s5;
	s6 =	sadd.s32 s6, s8  }
0xb: {  	s7 =	sadd.s32 $0x16600, s9;
	s8 =	smax.u32 s10, $0x1;
	s9 =	sshrl.u32 @!p0 s1, $0x3  }
0xc: {  	s10 =	simm.s32 $0x2;
	s5 =	sadd.s32 $0x2600, s11;
	s11 =	simm.s32 $0x2800  }
.LBB2_1:
0xd: {  	s16 =	simm.s32 @!p0 $0x1C02  }
0xe: {  	[spmem:s9], [sflag:s16] =	dma.local @!p0 [hbm:s4], $0x5000  }
0xf: {  	s16 =	simm.s32 @!p0 $0x2  }
0x10: {  	_ =	swait.ge @!p0 [sflag:s16], $0x5000  }
0x11: {  	[sflag:s16] =	ssyncset.done @!p0 $0x0  }
0x12: {  	[sflag:s16] =	ssyncadd.s32 @!p0 $0xFFFFB000  }
0x13: {  	[tilespmem:s2], [sflag:$0x2] =	stream.linear.gather [hbm4b:s5+s2], $0x2800, $0x38;
	[tilespmem:$0x8000] =	vst v63  }
0x14: {  	_ =	swait.ge [sflag:s10], $0x2800  }
0x15: {  	[sflag:s10] =	ssyncset.done $0x0  }
0x16: {  	[sflag:s10] =	ssyncadd.s32 $0xFFFFD800  }
0x17: {  	[tilespmem:s11], [sflag:$0x2] =	stream.linear.gather [hbm4b:s6+s2], $0x2800, $0x38;
	[tilespmem:$0x8000] =	vst v63  }
0x18: {  	_ =	swait.ge [sflag:s10], $0x2800  }
0x19: {  	[sflag:s10] =	ssyncset.done $0x0  }
0x1a: {  	[sflag:s10] =	ssyncadd.s32 $0xFFFFD800  }
0x1b: {  	s30 =	simm.s32 $0x0;
	[bflag:$0x0] =	sbarrier.arrive $0xFFFF  }
0x1c: {  	[tilespmem:s13], [sflag:$0x1] =	stream.indirect.gather [hbm4b:s3+s12], $0x10, s30, s12, $0xb8;
	[tilespmem:$0x8000] =	vst v63  }
0x1d: {  	_ =	swait.ge [sflag:s14], $0x800  }
0x1e: {  	[sflag:s14] =	ssyncset.done $0x0  }
0x1f: {  	s31 =	simm.s32 $0x2800;
	[sflag:s14] =	ssyncadd.s32 $0xFFFFF800  }
0x20: {  	[spmem:s1] =	stream.indirect.scatter.add.f32 [tilespmem:s13], [sflag:$0x2], $0x10, s31, s12, $0xb8;
	[tilespmem:$0x8000] =	vst v63  }
0x21: {  	_ =	swait.ge [sflag:s10], $0x800  }
0x22: {  	s17 =	simm.s32 $0x400;
	s16 =	simm.s32 $0x200;
	[sflag:s10] =	ssyncset.done $0x0  }
.LBB2_2:
0x23: {  	s18 =	sshra.s32 s16, $0x2  }
0x24: {  	[sflag:s10] =	ssyncadd.s32 $0xFFFFF800;
	s16 =	smov.u32 s17;
	s19 =	sadd.s32 $0x200, s17  }
0x25: {  	[tilespmem:s13], [sflag:$0x1] =	stream.indirect.gather [hbm4b:s3+s12], $0x10, s18, s12, $0xb8;
	[tilespmem:$0x8000] =	vst v63  }
0x26: {  	p1 =	sne.s32 s17, $0x9E00;
	_ =	swait.ge [sflag:s14], $0x800  }
.Ltmp0:
0x27: {  	[sflag:s14] =	ssyncset.done $0x0;
	(pc) =	sbr.rel @p1 .LBB2_2-.Ltmp0, $4  }
0x28: {  	s17 =	sadd.s32 $0x2800, s18;
	[sflag:s14] =	ssyncadd.s32 $0xFFFFF800  }
0x29: {  	[spmem:s1] =	stream.indirect.scatter.add.f32 [tilespmem:s13], [sflag:$0x2], $0x10, s17, s12, $0xb8;
	[tilespmem:$0x8000] =	vst v63  }
0x2a: {  	_ =	swait.ge [sflag:s10], $0x800  }
0x2b: {  	s17 =	smov.u32 s19;
	[sflag:s10] =	ssyncset.done $0x0  }
0x2c: {  	s16 =	sshra.s32 s16, $0x2;
	[sflag:s10] =	ssyncadd.s32 $0xFFFFF800  }
0x2d: {  	[tilespmem:s13], [sflag:$0x1] =	stream.indirect.gather [hbm4b:s3+s12], $0x10, s16, s12, $0xb8;
	[tilespmem:$0x8000] =	vst v63  }
0x2e: {  	_ =	swait.ge [sflag:s14], $0x800  }
0x2f: {  	[sflag:s14] =	ssyncset.done $0x0  }
0x30: {  	s16 =	sadd.s32 $0x2800, s16;
	[sflag:s14] =	ssyncadd.s32 $0xFFFFF800  }
0x31: {  	[spmem:s1] =	stream.indirect.scatter.add.f32 [tilespmem:s13], [sflag:$0x2], $0x10, s16, s12, $0xb8;
	[tilespmem:$0x8000] =	vst v63  }
0x32: {  	_ =	swait.ge [sflag:s10], $0x800  }
0x33: {  	[sflag:s10] =	ssyncset.done $0x0  }
0x34: {  	s15 =	sadd.s32 $0x1, s15;
	[sflag:s10] =	ssyncadd.s32 $0xFFFFF800  }
0x35: {  	p1 =	sne.s32 s15, s8;
	s16 =	simm.s32 @!p0 $0x1C02;
	[bflag:$0x0] =	sbarrier.arrive $0xFFFF  }
0x36: {  	[hbm:s7], [sflag:s16] =	dma.local @!p0 [spmem:s9], $0x5000  }
.Ltmp1:
0x37: {  	_ = 	snop;
	(pc) =	sbr.rel @p1 .LBB2_1-.Ltmp1, $4  }
0x38: {  	s16 =	simm.s32 @!p0 $0x2  }
0x39: {  	_ =	swait.ge @!p0 [sflag:s16], $0x5000  }
0x3a: {  	[sflag:s16] =	ssyncset.done @!p0 $0x0  }
0x3b: {  	[sflag:s16] =	ssyncadd.s32 @!p0 $0xFFFFB000  }
0x3c: {  	_ =	sfence.sel $0x180000  }
0x3d: {  	[bflag:$0x0] =	sbarrier.arrive $0xFFFF  }
0x3e: {  	_ =	strace $0x9000004A  }
0x3f: {  	s0 =	sadd.s32 @!p0 $0x100000, s0;
	[bflag:$0x2] =	sbarrier.arrive $0xFFFF  }
0x40: {  	[sflag:s0] =	ssyncadd.tile.s32 @!p0 $0x1;
	_ =	shalt  }
.Lfunc_end2:
_tile_overlayer_lowered:
.L_overlay_start_2:
0x41: {  	(tag) =	ssettag $0x2  }
0x42: {  	s0 =	rddreg [dreg:$0x0];
	s2 =	stileid.u32  }
0x43: {  	s1 =	rddreg [dreg:$0x1];
	p0 =	sne.s32 s2, $0x0  }
0x44: {  	s3 =	rddreg [dreg:$0x2];
	[bflag:$0x3] =	sbarrier.arrive $0xFFFF;
	s2 =	simm.s32 @!p0 $0x1C02  }
0x45: {  	[timem:s3], [sflag:s2] =	dma.local @!p0 [hbm:s0], s1  }
0x46: {  	s0 =	simm.s32 @!p0 $0x2  }
0x47: {  	_ =	swait.ge @!p0 [sflag:s0], s1  }
0x48: {  	s1 =	ssub.s32 @!p0 $0x0, s1;
	[sflag:s0] =	ssyncset.done @!p0 $0x0  }
0x49: {  	[sflag:s0] =	ssyncadd.s32 @!p0 s1  }
0x4a: {  	[bflag:$0x3] =	sbarrier.arrive $0xFFFF  }
0x4b: {  	_ =	shalt  }

// kernel: kernel.14.cloned.1.call-start
scs
__scs_entry_jumppad:
0x0: {  	(pc) =	sbr.rel $0x88, $3  }
0x1: {  	(tag) =	ssettag $0x0;
	lr =	simm.s32 $0x1  }
0x2: {  	[smem:$0x3F9B] =	sst lr;
	_ =	strace $0xD0000000  }
0x3: {  	_ = 	snop  }
0x4: {  	_ = 	snop  }
0x5: {  	_ = 	snop  }
0x6: {  	_ = 	snop  }
0x7: {  	_ = 	snop  }
__scs_overlays_trampoline_lowered:
0x8: {  	[smem:$0x3FAA] =	sst s0  }
0x9: {  	[smem:$0x3FAB] =	sst s1  }
0xa: {  	[smem:$0x3FAC] =	sst s2  }
0xb: {  	[smem:$0x3FAD] =	sst s3  }
0xc: {  	[smem:$0x3FAE] =	sst s4  }
0xd: {  	[smem:$0x3FAF] =	sst s5  }
0xe: {  	[smem:$0x3FB0] =	sst s6  }
0xf: {  	[smem:$0x3FB1] =	sst s7  }
0x10: {  	[smem:$0x3FB2] =	sst s8  }
0x11: {  	[smem:$0x3FB3] =	sst s9;
	s0 =	simm.s32 @!p0 $0x0  }
0x12: {  	s1 =	sld [smem:$0x3F99];
	s0 =	simm.s32 @p0 $0x1  }
0x13: {  	[smem:$0x3FB4] =	sst s0;
	s0 =	simm.s32 @!p1 $0x0  }
0x14: {  	s2 =	sld [smem:$0x3F98];
	s0 =	simm.s32 @p1 $0x1  }
0x15: {  	[smem:$0x3FB5] =	sst s0;
	s0 =	simm.s32 @!p2 $0x0  }
0x16: {  	s3 =	sld [smem:$0x3FDB];
	s0 =	simm.s32 @p2 $0x1  }
0x17: {  	s4 =	simm.s32 $0x1BF5;
	[smem:$0x3FB7] =	sst s0  }
0x18: {  	s0 =	sld [smem:$0x3F9A];
	_ =	swait.ge [sflag:s4], $0x0  }
0x19: {  	s7 =	sld [smem:$0x3F9B]  }
0x1a: {  	s8 =	sadd.s32 $0xFFFFE003, lr  }
0x1b: {  	s9 =	sadd.s32 $0xFFFFFEF7, lr;
	s5 =	simm.s32 $0xFFFFFFFF;
	p2 =	slt.u32 s8, $0xFFFFF086  }
0x1c: {  	p1 =	slt.u32 s9, $0xF7A;
	s5 =	simm.s32 @!p2 $0x0  }
0x1d: {  	s5 =	simm.s32 @p1 $0x1;
	p0 =	seq.s32 s7, s2  }
0x1e: {  	s7 =	smul.u32 @!p0 $0xF7A, s2;
	p2 =	seq.s32 @!p0 s5, $0x0  }
0x1f: {  	s9 =	smul.u32 $0xF7A, s1;
	s8 =	simm.s32 @!p0 $0x1BF5;
	p2 =	por !p2, p0  }
0x20: {  	[sflag:s8] =	ssyncset.s32 @!p0 $0xFFFFF086;
	s6 =	sadd.s32 @!p0 s3, s7;
	s7 =	simm.s32 @!p0 $0x108  }
0x21: {  	s3 =	sadd.s32 s3, s9;
	s6 =	sadd.s32 @!p0 $0x88, s6;
	s7 =	simm.s32 @p2 $0x1082  }
0x22: {  	[simem:s7], [sflag:s8] =	dma.local @!p0 [hbm:s6], $0xF7A  }
0x23: {  	s9 =	sor.u32 $0xD0000000, s2;
	s6 =	simm.s32 $0x108;
	_ =	swait.ge @!p0 [sflag:s8], $0x0  }
0x24: {  	s3 =	sadd.s32 $0x88, s3;
	s6 =	simm.s32 @!p1 $0x1082;
	[sflag:s4] =	ssyncset.s32 $0xFFFFF086  }
0x25: {  	[simem:s6], [sflag:s4] =	dma.local [hbm:s3], $0xF7A  }
0x26: {  	[smem:$0x3F9B] =	sst s1;
	(tag) =	ssettag s2;
	_ =	strace s9  }
0x27: {  	s1 =	sld [smem:$0x3FAB]  }
0x28: {  	s2 =	sld [smem:$0x3FAC]  }
0x29: {  	s4 =	sld [smem:$0x3FAE]  }
0x2a: {  	p0 =	seq.s32 s5, $0x0;
	s5 =	sld [smem:$0x3FAF]  }
0x2b: {  	s6 =	sld [smem:$0x3FB0]  }
0x2c: {  	s7 =	sld [smem:$0x3FB1]  }
0x2d: {  	s3 =	simm.s32 $0x108;
	s8 =	sld [smem:$0x3FB2]  }
0x2e: {  	s3 =	simm.s32 @!p0 $0x1082;
	s9 =	sld [smem:$0x3FB3]  }
0x2f: {  	lr =	sadd.s32 s0, s3;
	s0 =	sld [smem:$0x3FAA]  }
0x30: {  	s3 =	sld [smem:$0x3FAD]  }
0x31: {  	[smem:$0x3FB6] =	sst s10  }
0x32: {  	s10 =	sld [smem:$0x3FB4];
	_ =	sdelay $0x3  }
0x33: {  	p0 =	seq.s32 s10, $0x1;
	s10 =	sld [smem:$0x3FB6];
	_ =	sdelay $0x3  }
0x34: {  	[smem:$0x3FB6] =	sst s10  }
0x35: {  	s10 =	sld [smem:$0x3FB5];
	_ =	sdelay $0x3  }
0x36: {  	p1 =	seq.s32 s10, $0x1;
	s10 =	sld [smem:$0x3FB6];
	_ =	sdelay $0x3  }
0x37: {  	[smem:$0x3FB6] =	sst s10  }
0x38: {  	s10 =	sld [smem:$0x3FB7]  }
0x39: {  	_ = 	snop;
	(pc) =	sbr.ind lr, $3  }
0x3a: {  	_ = 	snop  }
0x3b: {  	_ = 	snop  }
0x3c: {  	p2 =	seq.s32 s10, $0x1;
	s10 =	sld [smem:$0x3FB6]  }
0x3d: {  	_ =	shalt  }
0x3e: {  	_ =	shalt  }
0x3f: {  	_ =	shalt  }
0x40: {  	_ =	shalt  }
0x41: {  	_ =	shalt  }
0x42: {  	_ =	shalt  }
0x43: {  	_ =	shalt  }
0x44: {  	_ =	shalt  }
0x45: {  	_ =	shalt  }
0x46: {  	_ =	shalt  }
0x47: {  	_ =	shalt  }
0x48: {  	_ =	shalt  }
0x49: {  	_ =	shalt  }
0x4a: {  	_ =	shalt  }
0x4b: {  	_ =	shalt  }
0x4c: {  	_ =	shalt  }
0x4d: {  	_ =	shalt  }
0x4e: {  	_ =	shalt  }
0x4f: {  	_ =	shalt  }
0x50: {  	_ =	shalt  }
0x51: {  	_ =	shalt  }
0x52: {  	_ =	shalt  }
0x53: {  	_ =	shalt  }
0x54: {  	_ =	shalt  }
0x55: {  	_ =	shalt  }
0x56: {  	_ =	shalt  }
0x57: {  	_ =	shalt  }
0x58: {  	_ =	shalt  }
0x59: {  	_ =	shalt  }
0x5a: {  	_ =	shalt  }
0x5b: {  	_ =	shalt  }
0x5c: {  	_ =	shalt  }
0x5d: {  	_ =	shalt  }
0x5e: {  	_ =	shalt  }
0x5f: {  	_ =	shalt  }
0x60: {  	_ =	shalt  }
0x61: {  	_ =	shalt  }
0x62: {  	_ =	shalt  }
0x63: {  	_ =	shalt  }
0x64: {  	_ =	shalt  }
0x65: {  	_ =	shalt  }
0x66: {  	_ =	shalt  }
0x67: {  	_ =	shalt  }
0x68: {  	_ =	shalt  }
0x69: {  	_ =	shalt  }
0x6a: {  	_ =	shalt  }
0x6b: {  	_ =	shalt  }
0x6c: {  	_ =	shalt  }
0x6d: {  	_ =	shalt  }
0x6e: {  	_ =	shalt  }
0x6f: {  	_ =	shalt  }
0x70: {  	_ =	shalt  }
0x71: {  	_ =	shalt  }
0x72: {  	_ =	shalt  }
0x73: {  	_ =	shalt  }
0x74: {  	_ =	shalt  }
0x75: {  	_ =	shalt  }
0x76: {  	_ =	shalt  }
0x77: {  	_ =	shalt  }
0x78: {  	_ =	shalt  }
0x79: {  	_ =	shalt  }
0x7a: {  	_ =	shalt  }
0x7b: {  	_ =	shalt  }
0x7c: {  	_ =	shalt  }
0x7d: {  	_ =	shalt  }
0x7e: {  	_ =	shalt  }
0x7f: {  	_ =	shalt  }
0x80: {  	_ =	shalt  }
0x81: {  	_ =	shalt  }
0x82: {  	_ =	shalt  }
0x83: {  	_ =	shalt  }
0x84: {  	_ =	shalt  }
0x85: {  	_ =	shalt  }
0x86: {  	_ =	shalt  }
0x87: {  	_ =	shalt  }
.Lfunc_end0:
.L_simem_size_0:
called_computation.2_lowered:
.L_overlay_start_0:
0x88: {  	s2 =	sld [smem:$0x3FD9]  }
0x89: {  	s3 =	sld [smem:$0x3FFE];
	_ =	sdelay $0x1  }
0x8a: {  	s1 =	srdreg.scid  }
0x8b: {  	s0 =	sand.u32 $0x1, s1  }
0x8c: {  	s17 =	sshll.u32 s0, $0xA;
	s2 =	sadd.s32 s3, s2  }
0x8d: {  	s2 =	sadd.s32 s2, s17  }
0x8e: {  	[smem:$0x3FC2] =	sst s2  }
0x8f: {  	_ = 	snop  }
0x90: {  	s2 =	sld [smem:$0x3FD0];
	(tm) =	ssettm $0x1  }
0x91: {  	s18 =	sld [smem:$0x3FFB];
	_ =	sdelay $0x3  }
0x92: {  	_ =	strace s18  }
0x93: {  	s3 =	sld [smem:$0x3FFC];
	_ =	sdelay $0x3  }
0x94: {  	_ =	strace s3  }
0x95: {  	s3 =	sld [smem:$0x3FFD];
	_ =	sdelay $0x3  }
0x96: {  	_ =	strace s3  }
0x97: {  	_ =	strace $0x8FFFFFFF  }
0x98: {  	s19 =	sld [smem:$0x3FDB];
	_ =	sdelay $0x1  }
0x99: {  	s4 =	simm.s32 $_scs_section_size  }
0x9a: {  	s5 =	simm.s32 $_size__tile_overlayer_lowered;
	s6 =	simm.s32 $_tile_overlayer_lowered  }
0x9b: {  	s22 =	simm.s32 $0x1BFF;
	s21 =	sshll.u32 s6, $0x1;
	s3 =	sadd.s32 s4, s19  }
0x9c: {  	s7 =	simm.s32 $0x0;
	s20 =	sshll.u32 s5, $0x1;
	s5 =	sadd.s32 s21, s3  }
0x9d: {  	[timem:s7], [sflag:s22] =	dma.local [hbm:s5], s20  }
0x9e: {  	_ =	swait.ge [sflag:s22], s20  }
0x9f: {  	s4 =	ssub.s32 $0x0, s20;
	[sflag:s22] =	ssyncset.done $0x0  }
0xa0: {  	[sflag:s22] =	ssyncadd.s32 s4;
	_ =	sdelay $0x1  }
0xa1: {  	s23 =	simm.s32 $0x1B8B  }
0xa2: {  	_ =	swait.ge [sflag:s23], $0x1  }
0xa3: {  	[sflag:s23] =	ssyncset.done $0x0  }
0xa4: {  	s25 =	simm.s32 $0x1B8E;
	s24 =	sld [smem:$0x3FFE];
	[sflag:s23] =	ssyncadd.s32 $0xFFFFFFFF  }
0xa5: {  	s26 =	simm.s32 $execute0_lowered;
	[smem:$0x3FD2] =	sst s25  }
0xa6: {  	s5 =	sshll.u32 s26, $0x1;
	_ =	strace $0x8000004C;
	[dreg:$0x1] =	wrdreg $0xFFFFFFFF  }
0xa7: {  	s28 =	simm.s32 $_size_execute0_lowered;
	s3 =	sadd.s32 s3, s5;
	[dreg:$0x0] =	wrdreg $0x0  }
0xa8: {  	s5 =	sshll.u32 s28, $0x1;
	[dreg:$0x2] =	wrdreg s3  }
0xa9: {  	[dreg:$0x3] =	wrdreg s5  }
0xaa: {  	[dreg:$0x4] =	wrdreg $0xC0  }
0xab: {  	_ =	task [dreg:s7], $0x5FFFF  }
0xac: {  	[dreg:$0x1] =	wrdreg $0xFFFFFFFF  }
0xad: {  	[dreg:$0x0] =	wrdreg $0x60  }
0xae: {  	[dreg:$0x2] =	wrdreg s24  }
0xaf: {  	[dreg:$0x3] =	wrdreg s2  }
0xb0: {  	[dreg:$0x4] =	wrdreg $0x58000  }
0xb1: {  	[dreg:$0x5] =	wrdreg $0x9  }
0xb2: {  	_ =	task.clear_ibuf [dreg:s7], $0x6FFFF;
	_ =	strace $0x9000004C  }
0xb3: {  	s29 =	simm.s32 $0x9;
	_ =	strace $0x8000004E  }
0xb4: {  	_ =	swait.ge [sflag:s29], $0x1  }
0xb5: {  	[sflag:s29] =	ssyncadd.s32 $0xFFFFFFFF  }
0xb6: {  	_ =	strace $0x9000004E  }
0xb7: {  	_ =	sfence  }
0xb8: {  	s30 =	sld [smem:$0x0];
	_ =	sdelay $0x2  }
0xb9: {  	s31 =	sshll.u32 s1, $0xD;
	s1 =	sshrl.u32 s1, $0x2  }
0xba: {  	s3 =	sand.u32 $0x4000, s31;
	s1 =	sadd.s32 s1, s30  }
0xbb: {  	s0 =	sor.u32 s3, s0;
	s1 =	sshll.u32 s1, $0x11  }
0xbc: {  	s0 =	sor.u32 s1, s0  }
0xbd: {  	s0 =	sadd.s32 $0x8F2B, s0  }
0xbe: {  	[sflag:s0] =	ssyncadd.remote.s32 $0x1  }
0xbf: {  	_ =	sfence.sel $0xFFFF  }
0xc0: {  	[dreg:$0x0] =	wrdreg $0xFFFFFFFF;
	(pc) =	sbr.abs _section_cstart, $3  }
0xc1: {  	[dreg:$0x1] =	wrdreg $0xFFFFFFFF  }
0xc2: {  	_ =	task.clear_ibuf [dreg:s7], $0x2FFFF;
	_ =	strace $0x9FFFFFFF  }
0xc3: {  	(tm) =	ssettm $0x7FFFFFFF  }
tec
execute0_lowered:
.L_overlay_start_1:
0x0: {  	(tag) =	ssettag $0x1  }
0x1: {  	s5 =	rddreg [dreg:$0x0]  }
0x2: {  	s6 =	rddreg [dreg:$0x1];
	s0 =	srdreg.scid  }
0x3: {  	s7 =	stileid.u32;
	s1 =	rddreg [dreg:$0x2];
	s2 =	simm.s32 $0x0  }
0x4: {  	s13 =	simm.s32 $0x5000;
	s14 =	simm.s32 $0x1;
	s15 =	simm.s32 $0x0  }
0x5: {  	s3 =	sand.u32 $0x1, s0;
	s4 =	sshll.u32 s7, $0x1;
	s0 =	rddreg [dreg:$0x3]  }
0x6: {  	[smem:$0x7FF] =	sst s2;
	p0 =	sne.s32 s7, $0x0;
	s4 =	sor.u32 s3, s4  }
0x7: {  	_ =	strace $0x8000004D;
	s9 =	smul.u32 $0x5000, s3;
	s10 =	ssub.s32 $0x2, s3  }
0x8: {  	s3 =	sadd.s32 $0xC600, s5;
	s8 =	smul.u32 $0x500, s4;
	s12 =	sshrl.u32 s10, $0x1  }
0x9: {  	s4 =	sadd.s32 $0x11600, s5;
	s9 =	sadd.s32 s9, s5;
	s10 =	ssub.s32 s10, s12  }
0xa: {  	s12 =	simm.s32 $0x80;
	s11 =	sadd.s32 s8, s5;
	s6 =	sadd.s32 s6, s8  }
0xb: {  	s7 =	sadd.s32 $0x16600, s9;
	s8 =	smax.u32 s10, $0x1;
	s9 =	sshrl.u32 @!p0 s1, $0x3  }
0xc: {  	s10 =	simm.s32 $0x2;
	s5 =	sadd.s32 $0x2600, s11;
	s11 =	simm.s32 $0x2800  }
.LBB2_1:
0xd: {  	s16 =	simm.s32 @!p0 $0x1C02  }
0xe: {  	[spmem:s9], [sflag:s16] =	dma.local @!p0 [hbm:s4], $0x5000  }
0xf: {  	s16 =	simm.s32 @!p0 $0x2  }
0x10: {  	_ =	swait.ge @!p0 [sflag:s16], $0x5000  }
0x11: {  	[sflag:s16] =	ssyncset.done @!p0 $0x0  }
0x12: {  	[sflag:s16] =	ssyncadd.s32 @!p0 $0xFFFFB000  }
0x13: {  	[tilespmem:s2], [sflag:$0x2] =	stream.linear.gather [hbm4b:s5+s2], $0x2800, $0x38;
	[tilespmem:$0x8000] =	vst v63  }
0x14: {  	_ =	swait.ge [sflag:s10], $0x2800  }
0x15: {  	[sflag:s10] =	ssyncset.done $0x0  }
0x16: {  	[sflag:s10] =	ssyncadd.s32 $0xFFFFD800  }
0x17: {  	[tilespmem:s11], [sflag:$0x2] =	stream.linear.gather [hbm4b:s6+s2], $0x2800, $0x38;
	[tilespmem:$0x8000] =	vst v63  }
0x18: {  	_ =	swait.ge [sflag:s10], $0x2800  }
0x19: {  	[sflag:s10] =	ssyncset.done $0x0  }
0x1a: {  	[sflag:s10] =	ssyncadd.s32 $0xFFFFD800  }
0x1b: {  	s30 =	simm.s32 $0x0;
	[bflag:$0x0] =	sbarrier.arrive $0xFFFF  }
0x1c: {  	[tilespmem:s13], [sflag:$0x1] =	stream.indirect.gather [hbm4b:s3+s12], $0x10, s30, s12, $0xb8;
	[tilespmem:$0x8000] =	vst v63  }
0x1d: {  	_ =	swait.ge [sflag:s14], $0x800  }
0x1e: {  	[sflag:s14] =	ssyncset.done $0x0  }
0x1f: {  	s31 =	simm.s32 $0x2800;
	[sflag:s14] =	ssyncadd.s32 $0xFFFFF800  }
0x20: {  	[spmem:s1] =	stream.indirect.scatter.add.f32 [tilespmem:s13], [sflag:$0x2], $0x10, s31, s12, $0xb8;
	[tilespmem:$0x8000] =	vst v63  }
0x21: {  	_ =	swait.ge [sflag:s10], $0x800  }
0x22: {  	s17 =	simm.s32 $0x400;
	s16 =	simm.s32 $0x200;
	[sflag:s10] =	ssyncset.done $0x0  }
.LBB2_2:
0x23: {  	s18 =	sshra.s32 s16, $0x2  }
0x24: {  	[sflag:s10] =	ssyncadd.s32 $0xFFFFF800;
	s16 =	smov.u32 s17;
	s19 =	sadd.s32 $0x200, s17  }
0x25: {  	[tilespmem:s13], [sflag:$0x1] =	stream.indirect.gather [hbm4b:s3+s12], $0x10, s18, s12, $0xb8;
	[tilespmem:$0x8000] =	vst v63  }
0x26: {  	p1 =	sne.s32 s17, $0x9E00;
	_ =	swait.ge [sflag:s14], $0x800  }
.Ltmp0:
0x27: {  	[sflag:s14] =	ssyncset.done $0x0;
	(pc) =	sbr.rel @p1 .LBB2_2-.Ltmp0, $4  }
0x28: {  	s17 =	sadd.s32 $0x2800, s18;
	[sflag:s14] =	ssyncadd.s32 $0xFFFFF800  }
0x29: {  	[spmem:s1] =	stream.indirect.scatter.add.f32 [tilespmem:s13], [sflag:$0x2], $0x10, s17, s12, $0xb8;
	[tilespmem:$0x8000] =	vst v63  }
0x2a: {  	_ =	swait.ge [sflag:s10], $0x800  }
0x2b: {  	s17 =	smov.u32 s19;
	[sflag:s10] =	ssyncset.done $0x0  }
0x2c: {  	s16 =	sshra.s32 s16, $0x2;
	[sflag:s10] =	ssyncadd.s32 $0xFFFFF800  }
0x2d: {  	[tilespmem:s13], [sflag:$0x1] =	stream.indirect.gather [hbm4b:s3+s12], $0x10, s16, s12, $0xb8;
	[tilespmem:$0x8000] =	vst v63  }
0x2e: {  	_ =	swait.ge [sflag:s14], $0x800  }
0x2f: {  	[sflag:s14] =	ssyncset.done $0x0  }
0x30: {  	s16 =	sadd.s32 $0x2800, s16;
	[sflag:s14] =	ssyncadd.s32 $0xFFFFF800  }
0x31: {  	[spmem:s1] =	stream.indirect.scatter.add.f32 [tilespmem:s13], [sflag:$0x2], $0x10, s16, s12, $0xb8;
	[tilespmem:$0x8000] =	vst v63  }
0x32: {  	_ =	swait.ge [sflag:s10], $0x800  }
0x33: {  	[sflag:s10] =	ssyncset.done $0x0  }
0x34: {  	s15 =	sadd.s32 $0x1, s15;
	[sflag:s10] =	ssyncadd.s32 $0xFFFFF800  }
0x35: {  	p1 =	sne.s32 s15, s8;
	s16 =	simm.s32 @!p0 $0x1C02;
	[bflag:$0x0] =	sbarrier.arrive $0xFFFF  }
0x36: {  	[hbm:s7], [sflag:s16] =	dma.local @!p0 [spmem:s9], $0x5000  }
.Ltmp1:
0x37: {  	_ = 	snop;
	(pc) =	sbr.rel @p1 .LBB2_1-.Ltmp1, $4  }
0x38: {  	s16 =	simm.s32 @!p0 $0x2  }
0x39: {  	_ =	swait.ge @!p0 [sflag:s16], $0x5000  }
0x3a: {  	[sflag:s16] =	ssyncset.done @!p0 $0x0  }
0x3b: {  	[sflag:s16] =	ssyncadd.s32 @!p0 $0xFFFFB000  }
0x3c: {  	_ =	sfence.sel $0x180000  }
0x3d: {  	[bflag:$0x0] =	sbarrier.arrive $0xFFFF  }
0x3e: {  	_ =	strace $0x9000004D  }
0x3f: {  	s0 =	sadd.s32 @!p0 $0x100000, s0;
	[bflag:$0x2] =	sbarrier.arrive $0xFFFF  }
0x40: {  	[sflag:s0] =	ssyncadd.tile.s32 @!p0 $0x1;
	_ =	shalt  }
.Lfunc_end2:
_tile_overlayer_lowered:
.L_overlay_start_2:
0x41: {  	(tag) =	ssettag $0x2  }
0x42: {  	s0 =	rddreg [dreg:$0x0];
	s2 =	stileid.u32  }
0x43: {  	s1 =	rddreg [dreg:$0x1];
	p0 =	sne.s32 s2, $0x0  }
0x44: {  	s3 =	rddreg [dreg:$0x2];
	[bflag:$0x3] =	sbarrier.arrive $0xFFFF;
	s2 =	simm.s32 @!p0 $0x1C02  }
0x45: {  	[timem:s3], [sflag:s2] =	dma.local @!p0 [hbm:s0], s1  }
0x46: {  	s0 =	simm.s32 @!p0 $0x2  }
0x47: {  	_ =	swait.ge @!p0 [sflag:s0], s1  }
0x48: {  	s1 =	ssub.s32 @!p0 $0x0, s1;
	[sflag:s0] =	ssyncset.done @!p0 $0x0  }
0x49: {  	[sflag:s0] =	ssyncadd.s32 @!p0 s1  }
0x4a: {  	[bflag:$0x3] =	sbarrier.arrive $0xFFFF  }
0x4b: {  	_ =	shalt  }

// kernel: kernel.8.cloned.1.call-start
scs
__scs_entry_jumppad:
0x0: {  	(pc) =	sbr.rel $0x88, $3  }
0x1: {  	(tag) =	ssettag $0x0;
	lr =	simm.s32 $0x1  }
0x2: {  	[smem:$0x3F9B] =	sst lr;
	_ =	strace $0xD0000000  }
0x3: {  	_ = 	snop  }
0x4: {  	_ = 	snop  }
0x5: {  	_ = 	snop  }
0x6: {  	_ = 	snop  }
0x7: {  	_ = 	snop  }
__scs_overlays_trampoline_lowered:
0x8: {  	[smem:$0x3FAA] =	sst s0  }
0x9: {  	[smem:$0x3FAB] =	sst s1  }
0xa: {  	[smem:$0x3FAC] =	sst s2  }
0xb: {  	[smem:$0x3FAD] =	sst s3  }
0xc: {  	[smem:$0x3FAE] =	sst s4  }
0xd: {  	[smem:$0x3FAF] =	sst s5  }
0xe: {  	[smem:$0x3FB0] =	sst s6  }
0xf: {  	[smem:$0x3FB1] =	sst s7  }
0x10: {  	[smem:$0x3FB2] =	sst s8  }
0x11: {  	[smem:$0x3FB3] =	sst s9;
	s0 =	simm.s32 @!p0 $0x0  }
0x12: {  	s1 =	sld [smem:$0x3F99];
	s0 =	simm.s32 @p0 $0x1  }
0x13: {  	[smem:$0x3FB4] =	sst s0;
	s0 =	simm.s32 @!p1 $0x0  }
0x14: {  	s2 =	sld [smem:$0x3F98];
	s0 =	simm.s32 @p1 $0x1  }
0x15: {  	[smem:$0x3FB5] =	sst s0;
	s0 =	simm.s32 @!p2 $0x0  }
0x16: {  	s3 =	sld [smem:$0x3FDB];
	s0 =	simm.s32 @p2 $0x1  }
0x17: {  	s4 =	simm.s32 $0x1BF5;
	[smem:$0x3FB7] =	sst s0  }
0x18: {  	s0 =	sld [smem:$0x3F9A];
	_ =	swait.ge [sflag:s4], $0x0  }
0x19: {  	s7 =	sld [smem:$0x3F9B]  }
0x1a: {  	s8 =	sadd.s32 $0xFFFFE003, lr  }
0x1b: {  	s9 =	sadd.s32 $0xFFFFFEF7, lr;
	s5 =	simm.s32 $0xFFFFFFFF;
	p2 =	slt.u32 s8, $0xFFFFF086  }
0x1c: {  	p1 =	slt.u32 s9, $0xF7A;
	s5 =	simm.s32 @!p2 $0x0  }
0x1d: {  	s5 =	simm.s32 @p1 $0x1;
	p0 =	seq.s32 s7, s2  }
0x1e: {  	s7 =	smul.u32 @!p0 $0xF7A, s2;
	p2 =	seq.s32 @!p0 s5, $0x0  }
0x1f: {  	s9 =	smul.u32 $0xF7A, s1;
	s8 =	simm.s32 @!p0 $0x1BF5;
	p2 =	por !p2, p0  }
0x20: {  	[sflag:s8] =	ssyncset.s32 @!p0 $0xFFFFF086;
	s6 =	sadd.s32 @!p0 s3, s7;
	s7 =	simm.s32 @!p0 $0x108  }
0x21: {  	s3 =	sadd.s32 s3, s9;
	s6 =	sadd.s32 @!p0 $0x88, s6;
	s7 =	simm.s32 @p2 $0x1082  }
0x22: {  	[simem:s7], [sflag:s8] =	dma.local @!p0 [hbm:s6], $0xF7A  }
0x23: {  	s9 =	sor.u32 $0xD0000000, s2;
	s6 =	simm.s32 $0x108;
	_ =	swait.ge @!p0 [sflag:s8], $0x0  }
0x24: {  	s3 =	sadd.s32 $0x88, s3;
	s6 =	simm.s32 @!p1 $0x1082;
	[sflag:s4] =	ssyncset.s32 $0xFFFFF086  }
0x25: {  	[simem:s6], [sflag:s4] =	dma.local [hbm:s3], $0xF7A  }
0x26: {  	[smem:$0x3F9B] =	sst s1;
	(tag) =	ssettag s2;
	_ =	strace s9  }
0x27: {  	s1 =	sld [smem:$0x3FAB]  }
0x28: {  	s2 =	sld [smem:$0x3FAC]  }
0x29: {  	s4 =	sld [smem:$0x3FAE]  }
0x2a: {  	p0 =	seq.s32 s5, $0x0;
	s5 =	sld [smem:$0x3FAF]  }
0x2b: {  	s6 =	sld [smem:$0x3FB0]  }
0x2c: {  	s7 =	sld [smem:$0x3FB1]  }
0x2d: {  	s3 =	simm.s32 $0x108;
	s8 =	sld [smem:$0x3FB2]  }
0x2e: {  	s3 =	simm.s32 @!p0 $0x1082;
	s9 =	sld [smem:$0x3FB3]  }
0x2f: {  	lr =	sadd.s32 s0, s3;
	s0 =	sld [smem:$0x3FAA]  }
0x30: {  	s3 =	sld [smem:$0x3FAD]  }
0x31: {  	[smem:$0x3FB6] =	sst s10  }
0x32: {  	s10 =	sld [smem:$0x3FB4];
	_ =	sdelay $0x3  }
0x33: {  	p0 =	seq.s32 s10, $0x1;
	s10 =	sld [smem:$0x3FB6];
	_ =	sdelay $0x3  }
0x34: {  	[smem:$0x3FB6] =	sst s10  }
0x35: {  	s10 =	sld [smem:$0x3FB5];
	_ =	sdelay $0x3  }
0x36: {  	p1 =	seq.s32 s10, $0x1;
	s10 =	sld [smem:$0x3FB6];
	_ =	sdelay $0x3  }
0x37: {  	[smem:$0x3FB6] =	sst s10  }
0x38: {  	s10 =	sld [smem:$0x3FB7]  }
0x39: {  	_ = 	snop;
	(pc) =	sbr.ind lr, $3  }
0x3a: {  	_ = 	snop  }
0x3b: {  	_ = 	snop  }
0x3c: {  	p2 =	seq.s32 s10, $0x1;
	s10 =	sld [smem:$0x3FB6]  }
0x3d: {  	_ =	shalt  }
0x3e: {  	_ =	shalt  }
0x3f: {  	_ =	shalt  }
0x40: {  	_ =	shalt  }
0x41: {  	_ =	shalt  }
0x42: {  	_ =	shalt  }
0x43: {  	_ =	shalt  }
0x44: {  	_ =	shalt  }
0x45: {  	_ =	shalt  }
0x46: {  	_ =	shalt  }
0x47: {  	_ =	shalt  }
0x48: {  	_ =	shalt  }
0x49: {  	_ =	shalt  }
0x4a: {  	_ =	shalt  }
0x4b: {  	_ =	shalt  }
0x4c: {  	_ =	shalt  }
0x4d: {  	_ =	shalt  }
0x4e: {  	_ =	shalt  }
0x4f: {  	_ =	shalt  }
0x50: {  	_ =	shalt  }
0x51: {  	_ =	shalt  }
0x52: {  	_ =	shalt  }
0x53: {  	_ =	shalt  }
0x54: {  	_ =	shalt  }
0x55: {  	_ =	shalt  }
0x56: {  	_ =	shalt  }
0x57: {  	_ =	shalt  }
0x58: {  	_ =	shalt  }
0x59: {  	_ =	shalt  }
0x5a: {  	_ =	shalt  }
0x5b: {  	_ =	shalt  }
0x5c: {  	_ =	shalt  }
0x5d: {  	_ =	shalt  }
0x5e: {  	_ =	shalt  }
0x5f: {  	_ =	shalt  }
0x60: {  	_ =	shalt  }
0x61: {  	_ =	shalt  }
0x62: {  	_ =	shalt  }
0x63: {  	_ =	shalt  }
0x64: {  	_ =	shalt  }
0x65: {  	_ =	shalt  }
0x66: {  	_ =	shalt  }
0x67: {  	_ =	shalt  }
0x68: {  	_ =	shalt  }
0x69: {  	_ =	shalt  }
0x6a: {  	_ =	shalt  }
0x6b: {  	_ =	shalt  }
0x6c: {  	_ =	shalt  }
0x6d: {  	_ =	shalt  }
0x6e: {  	_ =	shalt  }
0x6f: {  	_ =	shalt  }
0x70: {  	_ =	shalt  }
0x71: {  	_ =	shalt  }
0x72: {  	_ =	shalt  }
0x73: {  	_ =	shalt  }
0x74: {  	_ =	shalt  }
0x75: {  	_ =	shalt  }
0x76: {  	_ =	shalt  }
0x77: {  	_ =	shalt  }
0x78: {  	_ =	shalt  }
0x79: {  	_ =	shalt  }
0x7a: {  	_ =	shalt  }
0x7b: {  	_ =	shalt  }
0x7c: {  	_ =	shalt  }
0x7d: {  	_ =	shalt  }
0x7e: {  	_ =	shalt  }
0x7f: {  	_ =	shalt  }
0x80: {  	_ =	shalt  }
0x81: {  	_ =	shalt  }
0x82: {  	_ =	shalt  }
0x83: {  	_ =	shalt  }
0x84: {  	_ =	shalt  }
0x85: {  	_ =	shalt  }
0x86: {  	_ =	shalt  }
0x87: {  	_ =	shalt  }
.Lfunc_end0:
.L_simem_size_0:
called_computation_lowered:
.L_overlay_start_0:
0x88: {  	s2 =	sld [smem:$0x3FD9]  }
0x89: {  	s3 =	sld [smem:$0x3FFE];
	_ =	sdelay $0x1  }
0x8a: {  	s1 =	srdreg.scid  }
0x8b: {  	s0 =	sand.u32 $0x1, s1  }
0x8c: {  	s17 =	sshll.u32 s0, $0xA;
	s2 =	sadd.s32 s3, s2  }
0x8d: {  	s2 =	sadd.s32 s2, s17  }
0x8e: {  	[smem:$0x3FC2] =	sst s2  }
0x8f: {  	_ = 	snop  }
0x90: {  	s2 =	sld [smem:$0x3FD0];
	(tm) =	ssettm $0x1  }
0x91: {  	s18 =	sld [smem:$0x3FFB];
	_ =	sdelay $0x3  }
0x92: {  	_ =	strace s18  }
0x93: {  	s3 =	sld [smem:$0x3FFC];
	_ =	sdelay $0x3  }
0x94: {  	_ =	strace s3  }
0x95: {  	s3 =	sld [smem:$0x3FFD];
	_ =	sdelay $0x3  }
0x96: {  	_ =	strace s3  }
0x97: {  	_ =	strace $0x8FFFFFFF  }
0x98: {  	s19 =	sld [smem:$0x3FDB];
	_ =	sdelay $0x1  }
0x99: {  	s4 =	simm.s32 $_scs_section_size  }
0x9a: {  	s5 =	simm.s32 $_size__tile_overlayer_lowered;
	s6 =	simm.s32 $_tile_overlayer_lowered  }
0x9b: {  	s22 =	simm.s32 $0x1BFF;
	s21 =	sshll.u32 s6, $0x1;
	s3 =	sadd.s32 s4, s19  }
0x9c: {  	s7 =	simm.s32 $0x0;
	s20 =	sshll.u32 s5, $0x1;
	s5 =	sadd.s32 s21, s3  }
0x9d: {  	[timem:s7], [sflag:s22] =	dma.local [hbm:s5], s20  }
0x9e: {  	_ =	swait.ge [sflag:s22], s20  }
0x9f: {  	s4 =	ssub.s32 $0x0, s20;
	[sflag:s22] =	ssyncset.done $0x0  }
0xa0: {  	[sflag:s22] =	ssyncadd.s32 s4;
	_ =	sdelay $0x1  }
0xa1: {  	s23 =	simm.s32 $0x1B8B  }
0xa2: {  	_ =	swait.ge [sflag:s23], $0x1  }
0xa3: {  	[sflag:s23] =	ssyncset.done $0x0  }
0xa4: {  	s25 =	simm.s32 $0x1B8E;
	s24 =	sld [smem:$0x3FFE];
	[sflag:s23] =	ssyncadd.s32 $0xFFFFFFFF  }
0xa5: {  	s26 =	simm.s32 $execute0_lowered;
	[smem:$0x3FD2] =	sst s25  }
0xa6: {  	s5 =	sshll.u32 s26, $0x1;
	_ =	strace $0x80000046;
	[dreg:$0x1] =	wrdreg $0xFFFFFFFF  }
0xa7: {  	s28 =	simm.s32 $_size_execute0_lowered;
	s3 =	sadd.s32 s3, s5;
	[dreg:$0x0] =	wrdreg $0x0  }
0xa8: {  	s5 =	sshll.u32 s28, $0x1;
	[dreg:$0x2] =	wrdreg s3  }
0xa9: {  	[dreg:$0x3] =	wrdreg s5  }
0xaa: {  	[dreg:$0x4] =	wrdreg $0xC0  }
0xab: {  	_ =	task [dreg:s7], $0x5FFFF  }
0xac: {  	[dreg:$0x1] =	wrdreg $0xFFFFFFFF  }
0xad: {  	[dreg:$0x0] =	wrdreg $0x60  }
0xae: {  	[dreg:$0x2] =	wrdreg s2  }
0xaf: {  	[dreg:$0x3] =	wrdreg s24  }
0xb0: {  	[dreg:$0x4] =	wrdreg $0x28800  }
0xb1: {  	[dreg:$0x5] =	wrdreg $0x9  }
0xb2: {  	_ =	task.clear_ibuf [dreg:s7], $0x6FFFF;
	_ =	strace $0x90000046  }
0xb3: {  	s29 =	simm.s32 $0x9;
	_ =	strace $0x80000048  }
0xb4: {  	_ =	swait.ge [sflag:s29], $0x1  }
0xb5: {  	[sflag:s29] =	ssyncadd.s32 $0xFFFFFFFF  }
0xb6: {  	_ =	strace $0x90000048  }
0xb7: {  	_ =	sfence  }
0xb8: {  	s30 =	sld [smem:$0x0];
	_ =	sdelay $0x2  }
0xb9: {  	s31 =	sshll.u32 s1, $0xD;
	s1 =	sshrl.u32 s1, $0x2  }
0xba: {  	s3 =	sand.u32 $0x4000, s31;
	s1 =	sadd.s32 s1, s30  }
0xbb: {  	s0 =	sor.u32 s3, s0;
	s1 =	sshll.u32 s1, $0x11  }
0xbc: {  	s0 =	sor.u32 s1, s0  }
0xbd: {  	s0 =	sadd.s32 $0x8F2B, s0  }
0xbe: {  	[sflag:s0] =	ssyncadd.remote.s32 $0x1  }
0xbf: {  	_ =	sfence.sel $0xFFFF  }
0xc0: {  	[dreg:$0x0] =	wrdreg $0xFFFFFFFF;
	(pc) =	sbr.abs _section_cstart, $3  }
0xc1: {  	[dreg:$0x1] =	wrdreg $0xFFFFFFFF  }
0xc2: {  	_ =	task.clear_ibuf [dreg:s7], $0x2FFFF;
	_ =	strace $0x9FFFFFFF  }
0xc3: {  	(tm) =	ssettm $0x7FFFFFFF  }
tec
execute0_lowered:
.L_overlay_start_1:
0x0: {  	(tag) =	ssettag $0x1  }
0x1: {  	s5 =	rddreg [dreg:$0x0]  }
0x2: {  	s6 =	rddreg [dreg:$0x1]  }
0x3: {  	s1 =	rddreg [dreg:$0x2]  }
0x4: {  	s0 =	rddreg [dreg:$0x3];
	s2 =	simm.s32 $0x0  }
0x5: {  	s3 =	srdreg.scid;
	s7 =	stileid.u32;
	s12 =	simm.s32 $0x0  }
0x6: {  	[smem:$0x7FF] =	sst s2;
	s3 =	sand.u32 $0x1, s3;
	s4 =	sshll.u32 s7, $0x1  }
0x7: {  	p0 =	sne.s32 s7, $0x0;
	_ =	strace $0x80000047;
	s8 =	smul.u32 $0x500, s3  }
0x8: {  	s9 =	ssub.s32 $0x2, s3;
	s4 =	sor.u32 s3, s4;
	s3 =	sadd.s32 $0x1600, s6  }
0x9: {  	s10 =	sshrl.u32 s9, $0x1;
	s11 =	smul.u32 $0x500, s4;
	s4 =	sadd.s32 $0x1400, s6  }
0xa: {  	s6 =	sadd.s32 s8, s6;
	s31 =	ssub.s32 s9, s10;
	s8 =	sshrl.u32 @!p0 s1, $0x3  }
0xb: {  	s9 =	simm.s32 $0x2800;
	s10 =	simm.s32 $0x1;
	s5 =	sadd.s32 s5, s11  }
0xc: {  	s6 =	sadd.s32 $0x1C00, s6;
	s7 =	smax.u32 s31, $0x1;
	s11 =	simm.s32 $0x80  }
.LBB2_1:
0xd: {  	s13 =	simm.s32 @!p0 $0x1C01  }
0xe: {  	[spmem:s8], [sflag:s13] =	dma.local @!p0 [hbm:s3], $0x500  }
0xf: {  	s13 =	simm.s32 @!p0 $0x1  }
0x10: {  	_ =	swait.ge @!p0 [sflag:s13], $0x500  }
0x11: {  	[sflag:s13] =	ssyncset.done @!p0 $0x0  }
0x12: {  	[sflag:s13] =	ssyncadd.s32 @!p0 $0xFFFFFB00  }
0x13: {  	[tilespmem:s9], [sflag:$0x1] =	stream.linear.gather [hbm4b:s4+s2], $0x80, $0x38;
	[tilespmem:$0x2B00] =	vst v63  }
0x14: {  	_ =	swait.ge [sflag:s10], $0x80  }
0x15: {  	[sflag:s10] =	ssyncset.done $0x0  }
0x16: {  	[sflag:s10] =	ssyncadd.s32 $0xFFFFFF80  }
0x17: {  	[tilespmem:s2], [sflag:$0x1] =	stream.linear.gather [hbm4b:s5+s2], $0x2800, $0x38;
	[tilespmem:$0x2B00] =	vst v63  }
0x18: {  	_ =	swait.ge [sflag:s10], $0x2800  }
0x19: {  	[sflag:s10] =	ssyncset.done $0x0  }
0x1a: {  	[sflag:s10] =	ssyncadd.s32 $0xFFFFD800  }
0x1b: {  	s31 =	simm.s32 $0x0;
	[bflag:$0x0] =	sbarrier.arrive $0xFFFF  }
0x1c: {  	[spmem:s1] =	stream.indirect.scatter.add.f32 [tilespmem:s9], [sflag:$0x1], $0x1, s31, s11, $0xb8;
	[tilespmem:$0x2B00] =	vst v63  }
0x1d: {  	_ =	swait.ge [sflag:s10], $0x80  }
0x1e: {  	s13 =	simm.s32 $0x200;
	[sflag:s10] =	ssyncset.done $0x0  }
.LBB2_2:
0x1f: {  	s14 =	sshra.s32 s13, $0x2;
	[sflag:s10] =	ssyncadd.s32 $0xFFFFFF80;
	p1 =	sne.s32 s13, $0x9E00  }
0x20: {  	[spmem:s1] =	stream.indirect.scatter.add.f32 [tilespmem:s9], [sflag:$0x1], $0x1, s14, s11, $0xb8;
	[tilespmem:$0x2B00] =	vst v63  }
.Ltmp0:
0x21: {  	_ = 	snop;
	(pc) =	sbr.rel @p1 .LBB2_2-.Ltmp0, $4  }
0x22: {  	_ = 	snop  }
0x23: {  	s13 =	sadd.s32 $0x200, s13  }
0x24: {  	_ =	swait.ge [sflag:s10], $0x80  }
0x25: {  	[sflag:s10] =	ssyncset.done $0x0  }
0x26: {  	[sflag:s10] =	ssyncadd.s32 $0xFFFFFF80;
	s12 =	sadd.s32 $0x1, s12  }
0x27: {  	s13 =	simm.s32 @!p0 $0x1C01;
	[bflag:$0x0] =	sbarrier.arrive $0xFFFF;
	p1 =	sne.s32 s12, s7  }
0x28: {  	[hbm:s6], [sflag:s13] =	dma.local @!p0 [spmem:s8], $0x500  }
.Ltmp1:
0x29: {  	_ = 	snop;
	(pc) =	sbr.rel @p1 .LBB2_1-.Ltmp1, $4  }
0x2a: {  	s13 =	simm.s32 @!p0 $0x1  }
0x2b: {  	_ =	swait.ge @!p0 [sflag:s13], $0x500  }
0x2c: {  	[sflag:s13] =	ssyncset.done @!p0 $0x0  }
0x2d: {  	[sflag:s13] =	ssyncadd.s32 @!p0 $0xFFFFFB00  }
0x2e: {  	_ =	sfence.sel $0x180000  }
0x2f: {  	[bflag:$0x0] =	sbarrier.arrive $0xFFFF  }
0x30: {  	_ =	strace $0x90000047  }
0x31: {  	s0 =	sadd.s32 @!p0 $0x100000, s0;
	[bflag:$0x2] =	sbarrier.arrive $0xFFFF  }
0x32: {  	[sflag:s0] =	ssyncadd.tile.s32 @!p0 $0x1;
	_ =	shalt  }
.Lfunc_end2:
_tile_overlayer_lowered:
.L_overlay_start_2:
0x33: {  	(tag) =	ssettag $0x2  }
0x34: {  	s0 =	rddreg [dreg:$0x0];
	s2 =	stileid.u32  }
0x35: {  	s1 =	rddreg [dreg:$0x1];
	p0 =	sne.s32 s2, $0x0  }
0x36: {  	s3 =	rddreg [dreg:$0x2];
	[bflag:$0x3] =	sbarrier.arrive $0xFFFF;
	s2 =	simm.s32 @!p0 $0x1C01  }
0x37: {  	[timem:s3], [sflag:s2] =	dma.local @!p0 [hbm:s0], s1  }
0x38: {  	s0 =	simm.s32 @!p0 $0x1  }
0x39: {  	_ =	swait.ge @!p0 [sflag:s0], s1  }
0x3a: {  	s1 =	ssub.s32 @!p0 $0x0, s1;
	[sflag:s0] =	ssyncset.done @!p0 $0x0  }
0x3b: {  	[sflag:s0] =	ssyncadd.s32 @!p0 s1  }
0x3c: {  	[bflag:$0x3] =	sbarrier.arrive $0xFFFF  }
0x3d: {  	_ =	shalt  }

</sc_bundles>
